<compile_context>
chip_gen: v7x
topology: tpu7x:2x2x1
jax: 0.10.2.dev20260603
libtpu: 0.0.44.dev20260713+nightly
codegen_flags: <defaults>
</compile_context>

<pallas_src>
import functools

import jax
import jax.numpy as jnp
from jax import lax
from jax.experimental import pallas as pl
from jax.experimental.pallas import tpu as pltpu
from jax.experimental.pallas import tpu_sc as plsc

N = 10000
NPAD = 10240
E = 320000
NC, NS = 2, 16
NW = NC * NS
CH = 80
SCK = 25
NSC = 5
NITER = SCK * NSC
EW = NITER * CH
EP = NW * EW
TR = NPAD // NS
ZR = 128

_MESH = plsc.VectorSubcoreMesh(
    core_axis_name="c", subcore_axis_name="s", num_cores=NC, num_subcores=NS
)


def _make_sc_scatter(C, tc_tiling):

  @functools.partial(
      pl.kernel,
      out_type=jax.ShapeDtypeStruct((NC, NPAD, C), jnp.float32),
      mesh=_MESH,
      compiler_params=pltpu.CompilerParams(use_tc_tiling_on_sc=tc_tiling),
      scratch_types=[
          pltpu.VMEM((SCK, CH), jnp.int32),
          pltpu.VMEM((SCK, CH), jnp.int32),
          pltpu.VMEM((CH, C), jnp.float32),
          pltpu.VMEM((CH, C), jnp.float32),
          pltpu.VMEM_SHARED((NPAD, C), jnp.float32),
          pltpu.SemaphoreType.DMA,
          pltpu.SemaphoreType.DMA,
      ],
  )
  def sc_scatter(src_hbm, dst_hbm, u_hbm, z_hbm, out_hbm,
                 srcs_v, dsts_v, rows0, rows1, acc_sh, gsem0, gsem1):
    c = lax.axis_index("c")
    s = lax.axis_index("s")
    wid = c * NS + s

    @pl.loop(0, TR // ZR)
    def _(i):
      pltpu.sync_copy(z_hbm, acc_sh.at[pl.ds(s * TR + i * ZR, ZR)])

    plsc.subcore_barrier()

    @pl.loop(0, NSC)
    def _(sc):
      pltpu.sync_copy(src_hbm.at[wid, sc], srcs_v)
      pltpu.sync_copy(dst_hbm.at[wid, sc], dsts_v)
      pltpu.async_copy(u_hbm.at[srcs_v.at[0]], rows0, gsem0)

      @pl.loop(0, (SCK - 1) // 2)
      def _(j):
        i0 = 2 * j
        pltpu.make_async_copy(u_hbm.at[srcs_v.at[i0]], rows0, gsem0).wait()
        pltpu.async_copy(u_hbm.at[srcs_v.at[i0 + 1]], rows1, gsem1)
        pltpu.sync_copy(rows0, acc_sh.at[dsts_v.at[i0]], add=True)
        pltpu.make_async_copy(u_hbm.at[srcs_v.at[i0 + 1]], rows1, gsem1).wait()
        pltpu.async_copy(u_hbm.at[srcs_v.at[i0 + 2]], rows0, gsem0)
        pltpu.sync_copy(rows1, acc_sh.at[dsts_v.at[i0 + 1]], add=True)

      pltpu.make_async_copy(u_hbm.at[srcs_v.at[SCK - 1]], rows0, gsem0).wait()
      pltpu.sync_copy(rows0, acc_sh.at[dsts_v.at[SCK - 1]], add=True)

    plsc.subcore_barrier()
    pltpu.sync_copy(acc_sh.at[pl.ds(s * TR, TR)],
                    out_hbm.at[c, pl.ds(s * TR, TR)])

  return sc_scatter


def _make_sc_degree(C, tc_tiling):

  @functools.partial(
      pl.kernel,
      out_type=jax.ShapeDtypeStruct((NC, NPAD, C), jnp.float32),
      mesh=_MESH,
      compiler_params=pltpu.CompilerParams(use_tc_tiling_on_sc=tc_tiling),
      scratch_types=[
          pltpu.VMEM((SCK, CH), jnp.int32),
          pltpu.VMEM((CH, C), jnp.float32),
          pltpu.VMEM_SHARED((NPAD, C), jnp.float32),
          pltpu.SemaphoreType.DMA,
      ],
  )
  def sc_degree(dst_hbm, ones_hbm, z_hbm, out_hbm,
                dsts_v, ones_v, acc_sh, sem):
    c = lax.axis_index("c")
    s = lax.axis_index("s")
    wid = c * NS + s

    pltpu.sync_copy(ones_hbm, ones_v)

    @pl.loop(0, TR // ZR)
    def _(i):
      pltpu.sync_copy(z_hbm, acc_sh.at[pl.ds(s * TR + i * ZR, ZR)])

    plsc.subcore_barrier()

    @pl.loop(0, NSC)
    def _(sc):
      pltpu.sync_copy(dst_hbm.at[wid, sc], dsts_v)

      @pl.loop(0, SCK)
      def _(i):
        pltpu.sync_copy(ones_v, acc_sh.at[dsts_v.at[i]], add=True)

    plsc.subcore_barrier()
    pltpu.sync_copy(acc_sh.at[pl.ds(s * TR, TR)],
                    out_hbm.at[c, pl.ds(s * TR, TR)])

  return sc_degree


_sc_deg = _make_sc_degree(8, False)
_sc_scatter128 = _make_sc_scatter(128, True)
_sc_scatter48 = _make_sc_scatter(48, False)

_BLK = 2000
_GRID = N // _BLK


def _tc_norm_body(d0_ref, d1_ref, x_ref, dinv_ref, u1_ref):
  deg = d0_ref[0] + d1_ref[0] + 1.0
  dinv = lax.rsqrt(deg)
  dinv_ref[...] = dinv
  u1_ref[...] = dinv[:, 0:1] * x_ref[...]


def _tc_norm(degs, x):
  return pl.pallas_call(
      _tc_norm_body,
      grid=(_GRID,),
      in_specs=[
          pl.BlockSpec((1, _BLK, 8), lambda i: (0, i, 0)),
          pl.BlockSpec((1, _BLK, 8), lambda i: (1, i, 0)),
          pl.BlockSpec((_BLK, 128), lambda i: (i, 0)),
      ],
      out_specs=[
          pl.BlockSpec((_BLK, 8), lambda i: (i, 0)),
          pl.BlockSpec((_BLK, 128), lambda i: (i, 0)),
      ],
      out_shape=[
          jax.ShapeDtypeStruct((N, 8), jnp.float32),
          jax.ShapeDtypeStruct((N, 128), jnp.float32),
      ],
  )(degs, degs, x)


def _tc_mid_body(a0_ref, a1_ref, u1_ref, dinv_ref, w1_ref, b1_ref, w2_ref,
                 u2_ref):
  dv = dinv_ref[:, 0:1]
  y1 = dv * (a0_ref[0] + a1_ref[0] + u1_ref[...])
  h = jnp.dot(y1, w1_ref[...], preferred_element_type=jnp.float32)
  h = jnp.maximum(h + b1_ref[...], 0.0)
  g = jnp.dot(h, w2_ref[...], preferred_element_type=jnp.float32)
  u2_ref[...] = dv * g


def _tc_mid(acc1, u1, dinv, W1, b1, W2p):
  return pl.pallas_call(
      _tc_mid_body,
      grid=(_GRID,),
      in_specs=[
          pl.BlockSpec((1, _BLK, 128), lambda i: (0, i, 0)),
          pl.BlockSpec((1, _BLK, 128), lambda i: (1, i, 0)),
          pl.BlockSpec((_BLK, 128), lambda i: (i, 0)),
          pl.BlockSpec((_BLK, 8), lambda i: (i, 0)),
          pl.BlockSpec((128, 256), lambda i: (0, 0)),
          pl.BlockSpec((1, 256), lambda i: (0, 0)),
          pl.BlockSpec((256, 48), lambda i: (0, 0)),
      ],
      out_specs=pl.BlockSpec((_BLK, 48), lambda i: (i, 0)),
      out_shape=jax.ShapeDtypeStruct((N, 48), jnp.float32),
  )(acc1, acc1, u1, dinv, W1, b1, W2p)


def _tc_out_body(a0_ref, a1_ref, u2_ref, dinv_ref, b2_ref, out_ref):
  y = dinv_ref[:, 0:1] * (a0_ref[0] + a1_ref[0] + u2_ref[...])
  y = y[:, 0:40] + b2_ref[...]
  m = jnp.max(y, axis=1, keepdims=True)
  ys = y - m
  out_ref[...] = ys - jnp.log(jnp.sum(jnp.exp(ys), axis=1, keepdims=True))


def _tc_out(acc2, u2, dinv, b2):
  return pl.pallas_call(
      _tc_out_body,
      grid=(_GRID,),
      in_specs=[
          pl.BlockSpec((1, _BLK, 48), lambda i: (0, i, 0)),
          pl.BlockSpec((1, _BLK, 48), lambda i: (1, i, 0)),
          pl.BlockSpec((_BLK, 48), lambda i: (i, 0)),
          pl.BlockSpec((_BLK, 8), lambda i: (i, 0)),
          pl.BlockSpec((1, 40), lambda i: (0, 0)),
      ],
      out_specs=pl.BlockSpec((_BLK, 40), lambda i: (i, 0)),
      out_shape=jax.ShapeDtypeStruct((N, 40), jnp.float32),
  )(acc2, acc2, u2, dinv, b2)


def kernel(x, edge_index, W1, b1, W2, b2):
  src = jnp.concatenate(
      [edge_index[0],
       jnp.zeros((EP - E,), jnp.int32)]).reshape(NW, NSC, SCK, CH)
  dst = jnp.concatenate(
      [edge_index[1],
       jnp.full((EP - E,), NPAD - 1, jnp.int32)]).reshape(NW, NSC, SCK, CH)

  ones8 = jnp.ones((CH, 8), jnp.float32)
  z8 = jnp.zeros((ZR, 8), jnp.float32)
  z128 = jnp.zeros((ZR, 128), jnp.float32)
  z48 = jnp.zeros((ZR, 48), jnp.float32)
  W2p = jnp.pad(W2, ((0, 0), (0, 8)))
  b1r = b1.reshape(1, 256)
  b2r = b2.reshape(1, 40)

  degs = _sc_deg(dst, ones8, z8)
  dinv, u1 = _tc_norm(degs, x)
  acc1 = _sc_scatter128(src, dst, u1, z128)
  u2 = _tc_mid(acc1, u1, dinv, W1, b1r, W2p)
  acc2 = _sc_scatter48(src, dst, u2, z48)
  return _tc_out(acc2, u2, dinv, b2r)

# --- scband reference (transcript-rebuilt; emitter-appended) ---
"""Pipeline reference for scband-gnn-29961691857025 (READ-ONLY COPY).

The authoritative reference and input builder live on the scoring server;
editing this copy changes nothing except your own understanding.
"""

import jax, jax.numpy as jnp
import numpy as np

N_NODES = 10000


def gcn_conv(x, edge_index, W, b):
    # Faithful GCNConv (Kipf & Welling): add self-loops, symmetric normalization
    n = x.shape[0]
    loop = jnp.arange(n, dtype=edge_index.dtype)
    src = jnp.concatenate([edge_index[0], loop])
    dst = jnp.concatenate([edge_index[1], loop])
    h = x @ W
    deg = jnp.zeros((n,), dtype=x.dtype).at[dst].add(1.0)
    dinv = jax.lax.rsqrt(jnp.where(deg > 0, deg, 1.0))
    norm = dinv[src] * dinv[dst]
    msg = h[src] * norm[:, None]
    out = jax.ops.segment_sum(msg, dst, num_segments=n)
    return out + b


def setup_inputs(seed: int = 0) -> dict:
    key = jax.random.key(seed)
    k1, k2, k3, k4 = jax.random.split(key, 4)
    x = jax.random.normal(k1, (N_NODES, 128), dtype=jnp.float32)
    edge_index = jax.random.randint(k2, (2, 320000), 0, N_NODES, dtype=jnp.int32)
    W1 = jax.random.normal(k3, (128, 256), dtype=jnp.float32) * (1.0 / np.sqrt(128.0))
    b1 = jnp.zeros((256,), dtype=jnp.float32)
    W2 = jax.random.normal(k4, (256, 40), dtype=jnp.float32) * (1.0 / np.sqrt(256.0))
    b2 = jnp.zeros((40,), dtype=jnp.float32)
    return {"x": x, "edge_index": edge_index, "W1": W1, "b1": b1, "W2": W2, "b2": b2}


def reference(x, edge_index, W1, b1, W2, b2):
    h = jax.nn.relu(gcn_conv(x, edge_index, W1, b1))
    h = gcn_conv(h, edge_index, W2, b2)
    return jax.nn.log_softmax(h, axis=1)

if __name__ == "__main__":
    import jax
    _d = setup_inputs()
    print(jax.jit(kernel)(*tuple(_d.values())))

</pallas_src>

<mosaic_0001>
#map = affine_map<(d0, d1) -> (0, 0, 0, 0)>
#map1 = affine_map<(d0, d1) -> (0, 0)>
#map2 = affine_map<(d0, d1) -> (0, 0, 0)>
module attributes {stable_mosaic.version = 14 : i64} {
  func.func @sc_scatter(%arg0: i32, %arg1: i32, %arg2: memref<32x5x25x80xi32, #tpu.memory_space<hbm>>, %arg3: memref<32x5x25x80xi32, #tpu.memory_space<hbm>>, %arg4: memref<10000x48xf32, #tpu.memory_space<hbm>>, %arg5: memref<128x48xf32, #tpu.memory_space<hbm>>, %arg6: memref<2x10240x48xf32, #tpu.memory_space<hbm>>, %arg7: memref<25x80xi32, #tpu.memory_space<vmem>>, %arg8: memref<25x80xi32, #tpu.memory_space<vmem>>, %arg9: memref<80x48xf32, #tpu.memory_space<vmem>>, %arg10: memref<80x48xf32, #tpu.memory_space<vmem>>, %arg11: memref<10240x48xf32, #tpu.memory_space<vmem_shared>>, %arg12: memref<!tpu.dma_semaphore, #tpu.memory_space<semaphore_mem>>, %arg13: memref<!tpu.dma_semaphore, #tpu.memory_space<semaphore_mem>>) attributes {dimension_semantics = [#tpu.dimension_semantics<core_parallel>, #tpu.dimension_semantics<subcore_parallel>], iteration_bounds = array<i64: 2, 16>, scalar_prefetch = 0 : i64, scratch_operands = 7 : i64, tpu.core_type = #tpu.core_type<sc_vector_subcore>, window_params = [{transform_indices = #map}, {transform_indices = #map}, {transform_indices = #map1}, {transform_indices = #map1}, {transform_indices = #map2}]} {
    %mul3A = arith.constant 16 : i32
    %mul3A_0 = arith.muli %arg0, %mul3A : i32
    %add3A = arith.addi %mul3A_0, %arg1 : i32
    %scan3A = arith.constant 0 : i32
    %scan3A_1 = arith.constant 5 : i32
    %scan3A_2 = arith.addi %scan3A, %scan3A_1 : i32
    %scan3A_3 = arith.constant 1 : i32
    scf.for %scan3A_15 = %scan3A to %scan3A_2 step %scan3A_3  : i32 {
      %mul3A_16 = arith.constant 1 : i32
      %mul3A_17 = arith.muli %scan3A_15, %mul3A_16 : i32
      %add3A_18 = arith.constant 0 : i32
      %add3A_19 = arith.addi %add3A_18, %mul3A_17 : i32
      %mul3A_20 = arith.constant 640 : i32
      %mul3A_21 = arith.muli %arg1, %mul3A_20 : i32
      %mul3A_22 = arith.constant 128 : i32
      %mul3A_23 = arith.muli %add3A_19, %mul3A_22 : i32
      %add3A_24 = arith.addi %mul3A_21, %mul3A_23 : i32
      "tpu.region"() ({
        %run_scoped3A = tpu.sem_alloc : memref<!tpu.dma_semaphore, #tpu.memory_space<semaphore_mem>>
        %dma_start3A = arith.constant 0 : i32
        %dma_start3A_25 = tpu.memref_slice %arg11[%add3A_24, %dma_start3A] : memref<10240x48xf32, #tpu.memory_space<vmem_shared>> -> memref<128x48xf32, #tpu.memory_space<vmem_shared>>
        tpu.enqueue_dma source(%arg5 : memref<128x48xf32, #tpu.memory_space<hbm>>) target(%dma_start3A_25 : memref<128x48xf32, #tpu.memory_space<vmem_shared>>) target_semaphore(%run_scoped3A : memref<!tpu.dma_semaphore, #tpu.memory_space<semaphore_mem>>)
        %dma_wait3A = arith.constant 0 : i32
        %dma_wait3A_26 = tpu.memref_slice %arg11[%add3A_24, %dma_wait3A] : memref<10240x48xf32, #tpu.memory_space<vmem_shared>> -> memref<128x48xf32, #tpu.memory_space<vmem_shared>>
        tpu.wait_dma2 semaphore(%run_scoped3A : memref<!tpu.dma_semaphore, #tpu.memory_space<semaphore_mem>>) src(%arg5 : memref<128x48xf32, #tpu.memory_space<hbm>>) dst(%dma_wait3A_26 : memref<128x48xf32, #tpu.memory_space<vmem_shared>>)
        tpu.yield
      }) : () -> ()
    }
    %scan3A_4 = arith.constant 5 : i32
    %barrier3A = arith.constant 0 : index
    tpu.barrier barrier_id(%barrier3A)
    %scan3A_5 = arith.constant 0 : i32
    %scan3A_6 = arith.constant 5 : i32
    %scan3A_7 = arith.addi %scan3A_5, %scan3A_6 : i32
    %scan3A_8 = arith.constant 1 : i32
    scf.for %scan3A_15 = %scan3A_5 to %scan3A_7 step %scan3A_8  : i32 {
      %mul3A_16 = arith.constant 1 : i32
      %mul3A_17 = arith.muli %scan3A_15, %mul3A_16 : i32
      %add3A_18 = arith.constant 0 : i32
      %add3A_19 = arith.addi %add3A_18, %mul3A_17 : i32
      "tpu.region"() ({
        %run_scoped3A_37 = tpu.sem_alloc : memref<!tpu.dma_semaphore, #tpu.memory_space<semaphore_mem>>
        %dma_start3A_38 = arith.constant 0 : i32
        %dma_start3A_39 = arith.constant 0 : i32
        %dma_start3A_40 = tpu.memref_slice %arg2[%add3A, %add3A_19, %dma_start3A_38, %dma_start3A_39] : memref<32x5x25x80xi32, #tpu.memory_space<hbm>> -> memref<1x1x25x80xi32, #tpu.memory_space<hbm>>
        %dma_start3A_41 = tpu.memref_squeeze %dma_start3A_40 : memref<1x1x25x80xi32, #tpu.memory_space<hbm>> -> memref<25x80xi32, #tpu.memory_space<hbm>>
        %dma_start3A_42 = arith.constant 0 : i32
        %dma_start3A_43 = arith.constant 0 : i32
        %dma_start3A_44 = tpu.memref_slice %arg2[%add3A, %add3A_19, %dma_start3A_42, %dma_start3A_43] : memref<32x5x25x80xi32, #tpu.memory_space<hbm>> -> memref<1x1x25x80xi32, #tpu.memory_space<hbm>>
        %dma_start3A_45 = tpu.memref_squeeze %dma_start3A_44 : memref<1x1x25x80xi32, #tpu.memory_space<hbm>> -> memref<25x80xi32, #tpu.memory_space<hbm>>
        tpu.enqueue_dma source(%dma_start3A_45 : memref<25x80xi32, #tpu.memory_space<hbm>>) target(%arg7 : memref<25x80xi32, #tpu.memory_space<vmem>>) target_semaphore(%run_scoped3A_37 : memref<!tpu.dma_semaphore, #tpu.memory_space<semaphore_mem>>)
        %dma_wait3A_46 = arith.constant 0 : i32
        %dma_wait3A_47 = arith.constant 0 : i32
        %dma_wait3A_48 = tpu.memref_slice %arg2[%add3A, %add3A_19, %dma_wait3A_46, %dma_wait3A_47] : memref<32x5x25x80xi32, #tpu.memory_space<hbm>> -> memref<1x1x25x80xi32, #tpu.memory_space<hbm>>
        %dma_wait3A_49 = tpu.memref_squeeze %dma_wait3A_48 : memref<1x1x25x80xi32, #tpu.memory_space<hbm>> -> memref<25x80xi32, #tpu.memory_space<hbm>>
        %dma_wait3A_50 = arith.constant 0 : i32
        %dma_wait3A_51 = arith.constant 0 : i32
        %dma_wait3A_52 = tpu.memref_slice %arg2[%add3A, %add3A_19, %dma_wait3A_50, %dma_wait3A_51] : memref<32x5x25x80xi32, #tpu.memory_space<hbm>> -> memref<1x1x25x80xi32, #tpu.memory_space<hbm>>
        %dma_wait3A_53 = tpu.memref_squeeze %dma_wait3A_52 : memref<1x1x25x80xi32, #tpu.memory_space<hbm>> -> memref<25x80xi32, #tpu.memory_space<hbm>>
        tpu.wait_dma2 semaphore(%run_scoped3A_37 : memref<!tpu.dma_semaphore, #tpu.memory_space<semaphore_mem>>) src(%dma_wait3A_53 : memref<25x80xi32, #tpu.memory_space<hbm>>) dst(%arg7 : memref<25x80xi32, #tpu.memory_space<vmem>>)
        tpu.yield
      }) : () -> ()
      "tpu.region"() ({
        %run_scoped3A_37 = tpu.sem_alloc : memref<!tpu.dma_semaphore, #tpu.memory_space<semaphore_mem>>
        %dma_start3A_38 = arith.constant 0 : i32
        %dma_start3A_39 = arith.constant 0 : i32
        %dma_start3A_40 = tpu.memref_slice %arg3[%add3A, %add3A_19, %dma_start3A_38, %dma_start3A_39] : memref<32x5x25x80xi32, #tpu.memory_space<hbm>> -> memref<1x1x25x80xi32, #tpu.memory_space<hbm>>
        %dma_start3A_41 = tpu.memref_squeeze %dma_start3A_40 : memref<1x1x25x80xi32, #tpu.memory_space<hbm>> -> memref<25x80xi32, #tpu.memory_space<hbm>>
        %dma_start3A_42 = arith.constant 0 : i32
        %dma_start3A_43 = arith.constant 0 : i32
        %dma_start3A_44 = tpu.memref_slice %arg3[%add3A, %add3A_19, %dma_start3A_42, %dma_start3A_43] : memref<32x5x25x80xi32, #tpu.memory_space<hbm>> -> memref<1x1x25x80xi32, #tpu.memory_space<hbm>>
        %dma_start3A_45 = tpu.memref_squeeze %dma_start3A_44 : memref<1x1x25x80xi32, #tpu.memory_space<hbm>> -> memref<25x80xi32, #tpu.memory_space<hbm>>
        tpu.enqueue_dma source(%dma_start3A_45 : memref<25x80xi32, #tpu.memory_space<hbm>>) target(%arg8 : memref<25x80xi32, #tpu.memory_space<vmem>>) target_semaphore(%run_scoped3A_37 : memref<!tpu.dma_semaphore, #tpu.memory_space<semaphore_mem>>)
        %dma_wait3A_46 = arith.constant 0 : i32
        %dma_wait3A_47 = arith.constant 0 : i32
        %dma_wait3A_48 = tpu.memref_slice %arg3[%add3A, %add3A_19, %dma_wait3A_46, %dma_wait3A_47] : memref<32x5x25x80xi32, #tpu.memory_space<hbm>> -> memref<1x1x25x80xi32, #tpu.memory_space<hbm>>
        %dma_wait3A_49 = tpu.memref_squeeze %dma_wait3A_48 : memref<1x1x25x80xi32, #tpu.memory_space<hbm>> -> memref<25x80xi32, #tpu.memory_space<hbm>>
        %dma_wait3A_50 = arith.constant 0 : i32
        %dma_wait3A_51 = arith.constant 0 : i32
        %dma_wait3A_52 = tpu.memref_slice %arg3[%add3A, %add3A_19, %dma_wait3A_50, %dma_wait3A_51] : memref<32x5x25x80xi32, #tpu.memory_space<hbm>> -> memref<1x1x25x80xi32, #tpu.memory_space<hbm>>
        %dma_wait3A_53 = tpu.memref_squeeze %dma_wait3A_52 : memref<1x1x25x80xi32, #tpu.memory_space<hbm>> -> memref<25x80xi32, #tpu.memory_space<hbm>>
        tpu.wait_dma2 semaphore(%run_scoped3A_37 : memref<!tpu.dma_semaphore, #tpu.memory_space<semaphore_mem>>) src(%dma_wait3A_53 : memref<25x80xi32, #tpu.memory_space<hbm>>) dst(%arg8 : memref<25x80xi32, #tpu.memory_space<vmem>>)
        tpu.yield
      }) : () -> ()
      %dma_start3A = arith.constant 0 : i32
      %dma_start3A_20 = arith.constant 0 : i32
      %dma_start3A_21 = tpu.memref_slice %arg7[%dma_start3A, %dma_start3A_20] : memref<25x80xi32, #tpu.memory_space<vmem>> -> memref<1x80xi32, #tpu.memory_space<vmem>>
      %dma_start3A_22 = tpu.memref_squeeze %dma_start3A_21 : memref<1x80xi32, #tpu.memory_space<vmem>> -> memref<80xi32, #tpu.memory_space<vmem>>
      %dma_start3A_23 = arith.constant 0 : i32
      %dma_start3A_24 = arith.constant 0 : i32
      %dma_start3A_25 = tpu.memref_slice %arg4[%dma_start3A_23, %dma_start3A_24] : memref<10000x48xf32, #tpu.memory_space<hbm>> -> memref<10000x48xf32, #tpu.memory_space<hbm>>
      tpu.enqueue_indirect_dma source(%dma_start3A_25 : memref<10000x48xf32, #tpu.memory_space<hbm>>) target(%arg9 : memref<80x48xf32, #tpu.memory_space<vmem>>) offsets(%dma_start3A_22 : memref<80xi32, #tpu.memory_space<vmem>>) semaphore(%arg12 : memref<!tpu.dma_semaphore, #tpu.memory_space<semaphore_mem>>)
      %scan3A_26 = arith.constant 0 : i32
      %scan3A_27 = arith.constant 12 : i32
      %scan3A_28 = arith.addi %scan3A_26, %scan3A_27 : i32
      %scan3A_29 = arith.constant 1 : i32
      scf.for %scan3A_37 = %scan3A_26 to %scan3A_28 step %scan3A_29  : i32 {
        %mul3A_38 = arith.constant 1 : i32
        %mul3A_39 = arith.muli %scan3A_37, %mul3A_38 : i32
        %add3A_40 = arith.constant 0 : i32
        %add3A_41 = arith.addi %add3A_40, %mul3A_39 : i32
        %mul3A_42 = arith.constant 2 : i32
        %mul3A_43 = arith.muli %mul3A_42, %add3A_41 : i32
        %dma_wait3A_44 = arith.constant 0 : i32
        %dma_wait3A_45 = tpu.memref_slice %arg7[%mul3A_43, %dma_wait3A_44] : memref<25x80xi32, #tpu.memory_space<vmem>> -> memref<1x80xi32, #tpu.memory_space<vmem>>
        %dma_wait3A_46 = tpu.memref_squeeze %dma_wait3A_45 : memref<1x80xi32, #tpu.memory_space<vmem>> -> memref<80xi32, #tpu.memory_space<vmem>>
        %dma_wait3A_47 = arith.constant 0 : i32
        %dma_wait3A_48 = arith.constant 0 : i32
        %dma_wait3A_49 = tpu.memref_slice %arg4[%dma_wait3A_47, %dma_wait3A_48] : memref<10000x48xf32, #tpu.memory_space<hbm>> -> memref<10000x48xf32, #tpu.memory_space<hbm>>
        tpu.wait_indirect_dma semaphore(%arg12 : memref<!tpu.dma_semaphore, #tpu.memory_space<semaphore_mem>>) src(%dma_wait3A_49 : memref<10000x48xf32, #tpu.memory_space<hbm>>) dst(%arg9 : memref<80x48xf32, #tpu.memory_space<vmem>>)
        %add3A_50 = arith.constant 1 : i32
        %add3A_51 = arith.addi %mul3A_43, %add3A_50 : i32
        %dma_start3A_52 = arith.constant 0 : i32
        %dma_start3A_53 = tpu.memref_slice %arg7[%add3A_51, %dma_start3A_52] : memref<25x80xi32, #tpu.memory_space<vmem>> -> memref<1x80xi32, #tpu.memory_space<vmem>>
        %dma_start3A_54 = tpu.memref_squeeze %dma_start3A_53 : memref<1x80xi32, #tpu.memory_space<vmem>> -> memref<80xi32, #tpu.memory_space<vmem>>
        %dma_start3A_55 = arith.constant 0 : i32
        %dma_start3A_56 = arith.constant 0 : i32
        %dma_start3A_57 = tpu.memref_slice %arg4[%dma_start3A_55, %dma_start3A_56] : memref<10000x48xf32, #tpu.memory_space<hbm>> -> memref<10000x48xf32, #tpu.memory_space<hbm>>
        tpu.enqueue_indirect_dma source(%dma_start3A_57 : memref<10000x48xf32, #tpu.memory_space<hbm>>) target(%arg10 : memref<80x48xf32, #tpu.memory_space<vmem>>) offsets(%dma_start3A_54 : memref<80xi32, #tpu.memory_space<vmem>>) semaphore(%arg13 : memref<!tpu.dma_semaphore, #tpu.memory_space<semaphore_mem>>)
        "tpu.region"() ({
          %run_scoped3A_76 = tpu.sem_alloc : memref<!tpu.dma_semaphore, #tpu.memory_space<semaphore_mem>>
          %dma_start3A_77 = arith.constant 0 : i32
          %dma_start3A_78 = tpu.memref_slice %arg8[%mul3A_43, %dma_start3A_77] : memref<25x80xi32, #tpu.memory_space<vmem>> -> memref<1x80xi32, #tpu.memory_space<vmem>>
          %dma_start3A_79 = tpu.memref_squeeze %dma_start3A_78 : memref<1x80xi32, #tpu.memory_space<vmem>> -> memref<80xi32, #tpu.memory_space<vmem>>
          %dma_start3A_80 = arith.constant 0 : i32
          %dma_start3A_81 = arith.constant 0 : i32
          %dma_start3A_82 = tpu.memref_slice %arg11[%dma_start3A_80, %dma_start3A_81] : memref<10240x48xf32, #tpu.memory_space<vmem_shared>> -> memref<10240x48xf32, #tpu.memory_space<vmem_shared>>
          tpu.enqueue_indirect_dma source(%arg9 : memref<80x48xf32, #tpu.memory_space<vmem>>) target(%dma_start3A_82 : memref<10240x48xf32, #tpu.memory_space<vmem_shared>>) offsets(%dma_start3A_79 : memref<80xi32, #tpu.memory_space<vmem>>) semaphore(%run_scoped3A_76 : memref<!tpu.dma_semaphore, #tpu.memory_space<semaphore_mem>>) {add = true}
          %dma_wait3A_83 = arith.constant 0 : i32
          %dma_wait3A_84 = tpu.memref_slice %arg8[%mul3A_43, %dma_wait3A_83] : memref<25x80xi32, #tpu.memory_space<vmem>> -> memref<1x80xi32, #tpu.memory_space<vmem>>
          %dma_wait3A_85 = tpu.memref_squeeze %dma_wait3A_84 : memref<1x80xi32, #tpu.memory_space<vmem>> -> memref<80xi32, #tpu.memory_space<vmem>>
          %dma_wait3A_86 = arith.constant 0 : i32
          %dma_wait3A_87 = arith.constant 0 : i32
          %dma_wait3A_88 = tpu.memref_slice %arg11[%dma_wait3A_86, %dma_wait3A_87] : memref<10240x48xf32, #tpu.memory_space<vmem_shared>> -> memref<10240x48xf32, #tpu.memory_space<vmem_shared>>
          tpu.wait_indirect_dma semaphore(%run_scoped3A_76 : memref<!tpu.dma_semaphore, #tpu.memory_space<semaphore_mem>>) src(%arg9 : memref<80x48xf32, #tpu.memory_space<vmem>>) dst(%dma_wait3A_88 : memref<10240x48xf32, #tpu.memory_space<vmem_shared>>)
          tpu.yield
        }) : () -> ()
        %add3A_58 = arith.constant 1 : i32
        %add3A_59 = arith.addi %mul3A_43, %add3A_58 : i32
        %dma_wait3A_60 = arith.constant 0 : i32
        %dma_wait3A_61 = tpu.memref_slice %arg7[%add3A_59, %dma_wait3A_60] : memref<25x80xi32, #tpu.memory_space<vmem>> -> memref<1x80xi32, #tpu.memory_space<vmem>>
        %dma_wait3A_62 = tpu.memref_squeeze %dma_wait3A_61 : memref<1x80xi32, #tpu.memory_space<vmem>> -> memref<80xi32, #tpu.memory_space<vmem>>
        %dma_wait3A_63 = arith.constant 0 : i32
        %dma_wait3A_64 = arith.constant 0 : i32
        %dma_wait3A_65 = tpu.memref_slice %arg4[%dma_wait3A_63, %dma_wait3A_64] : memref<10000x48xf32, #tpu.memory_space<hbm>> -> memref<10000x48xf32, #tpu.memory_space<hbm>>
        tpu.wait_indirect_dma semaphore(%arg13 : memref<!tpu.dma_semaphore, #tpu.memory_space<semaphore_mem>>) src(%dma_wait3A_65 : memref<10000x48xf32, #tpu.memory_space<hbm>>) dst(%arg10 : memref<80x48xf32, #tpu.memory_space<vmem>>)
        %add3A_66 = arith.constant 2 : i32
        %add3A_67 = arith.addi %mul3A_43, %add3A_66 : i32
        %dma_start3A_68 = arith.constant 0 : i32
        %dma_start3A_69 = tpu.memref_slice %arg7[%add3A_67, %dma_start3A_68] : memref<25x80xi32, #tpu.memory_space<vmem>> -> memref<1x80xi32, #tpu.memory_space<vmem>>
        %dma_start3A_70 = tpu.memref_squeeze %dma_start3A_69 : memref<1x80xi32, #tpu.memory_space<vmem>> -> memref<80xi32, #tpu.memory_space<vmem>>
        %dma_start3A_71 = arith.constant 0 : i32
        %dma_start3A_72 = arith.constant 0 : i32
        %dma_start3A_73 = tpu.memref_slice %arg4[%dma_start3A_71, %dma_start3A_72] : memref<10000x48xf32, #tpu.memory_space<hbm>> -> memref<10000x48xf32, #tpu.memory_space<hbm>>
        tpu.enqueue_indirect_dma source(%dma_start3A_73 : memref<10000x48xf32, #tpu.memory_space<hbm>>) target(%arg9 : memref<80x48xf32, #tpu.memory_space<vmem>>) offsets(%dma_start3A_70 : memref<80xi32, #tpu.memory_space<vmem>>) semaphore(%arg12 : memref<!tpu.dma_semaphore, #tpu.memory_space<semaphore_mem>>)
        %add3A_74 = arith.constant 1 : i32
        %add3A_75 = arith.addi %mul3A_43, %add3A_74 : i32
        "tpu.region"() ({
          %run_scoped3A_76 = tpu.sem_alloc : memref<!tpu.dma_semaphore, #tpu.memory_space<semaphore_mem>>
          %dma_start3A_77 = arith.constant 0 : i32
          %dma_start3A_78 = tpu.memref_slice %arg8[%add3A_75, %dma_start3A_77] : memref<25x80xi32, #tpu.memory_space<vmem>> -> memref<1x80xi32, #tpu.memory_space<vmem>>
          %dma_start3A_79 = tpu.memref_squeeze %dma_start3A_78 : memref<1x80xi32, #tpu.memory_space<vmem>> -> memref<80xi32, #tpu.memory_space<vmem>>
          %dma_start3A_80 = arith.constant 0 : i32
          %dma_start3A_81 = arith.constant 0 : i32
          %dma_start3A_82 = tpu.memref_slice %arg11[%dma_start3A_80, %dma_start3A_81] : memref<10240x48xf32, #tpu.memory_space<vmem_shared>> -> memref<10240x48xf32, #tpu.memory_space<vmem_shared>>
          tpu.enqueue_indirect_dma source(%arg10 : memref<80x48xf32, #tpu.memory_space<vmem>>) target(%dma_start3A_82 : memref<10240x48xf32, #tpu.memory_space<vmem_shared>>) offsets(%dma_start3A_79 : memref<80xi32, #tpu.memory_space<vmem>>) semaphore(%run_scoped3A_76 : memref<!tpu.dma_semaphore, #tpu.memory_space<semaphore_mem>>) {add = true}
          %dma_wait3A_83 = arith.constant 0 : i32
          %dma_wait3A_84 = tpu.memref_slice %arg8[%add3A_75, %dma_wait3A_83] : memref<25x80xi32, #tpu.memory_space<vmem>> -> memref<1x80xi32, #tpu.memory_space<vmem>>
          %dma_wait3A_85 = tpu.memref_squeeze %dma_wait3A_84 : memref<1x80xi32, #tpu.memory_space<vmem>> -> memref<80xi32, #tpu.memory_space<vmem>>
          %dma_wait3A_86 = arith.constant 0 : i32
          %dma_wait3A_87 = arith.constant 0 : i32
          %dma_wait3A_88 = tpu.memref_slice %arg11[%dma_wait3A_86, %dma_wait3A_87] : memref<10240x48xf32, #tpu.memory_space<vmem_shared>> -> memref<10240x48xf32, #tpu.memory_space<vmem_shared>>
          tpu.wait_indirect_dma semaphore(%run_scoped3A_76 : memref<!tpu.dma_semaphore, #tpu.memory_space<semaphore_mem>>) src(%arg10 : memref<80x48xf32, #tpu.memory_space<vmem>>) dst(%dma_wait3A_88 : memref<10240x48xf32, #tpu.memory_space<vmem_shared>>)
          tpu.yield
        }) : () -> ()
      }
      %scan3A_30 = arith.constant 12 : i32
      %dma_wait3A = arith.constant 24 : i32
      %dma_wait3A_31 = arith.constant 0 : i32
      %dma_wait3A_32 = tpu.memref_slice %arg7[%dma_wait3A, %dma_wait3A_31] : memref<25x80xi32, #tpu.memory_space<vmem>> -> memref<1x80xi32, #tpu.memory_space<vmem>>
      %dma_wait3A_33 = tpu.memref_squeeze %dma_wait3A_32 : memref<1x80xi32, #tpu.memory_space<vmem>> -> memref<80xi32, #tpu.memory_space<vmem>>
      %dma_wait3A_34 = arith.constant 0 : i32
      %dma_wait3A_35 = arith.constant 0 : i32
      %dma_wait3A_36 = tpu.memref_slice %arg4[%dma_wait3A_34, %dma_wait3A_35] : memref<10000x48xf32, #tpu.memory_space<hbm>> -> memref<10000x48xf32, #tpu.memory_space<hbm>>
      tpu.wait_indirect_dma semaphore(%arg12 : memref<!tpu.dma_semaphore, #tpu.memory_space<semaphore_mem>>) src(%dma_wait3A_36 : memref<10000x48xf32, #tpu.memory_space<hbm>>) dst(%arg9 : memref<80x48xf32, #tpu.memory_space<vmem>>)
      %run_scoped3A = arith.constant 24 : i32
      "tpu.region"() ({
        %run_scoped3A_37 = tpu.sem_alloc : memref<!tpu.dma_semaphore, #tpu.memory_space<semaphore_mem>>
        %dma_start3A_38 = arith.constant 0 : i32
        %dma_start3A_39 = tpu.memref_slice %arg8[%run_scoped3A, %dma_start3A_38] : memref<25x80xi32, #tpu.memory_space<vmem>> -> memref<1x80xi32, #tpu.memory_space<vmem>>
        %dma_start3A_40 = tpu.memref_squeeze %dma_start3A_39 : memref<1x80xi32, #tpu.memory_space<vmem>> -> memref<80xi32, #tpu.memory_space<vmem>>
        %dma_start3A_41 = arith.constant 0 : i32
        %dma_start3A_42 = arith.constant 0 : i32
        %dma_start3A_43 = tpu.memref_slice %arg11[%dma_start3A_41, %dma_start3A_42] : memref<10240x48xf32, #tpu.memory_space<vmem_shared>> -> memref<10240x48xf32, #tpu.memory_space<vmem_shared>>
        tpu.enqueue_indirect_dma source(%arg9 : memref<80x48xf32, #tpu.memory_space<vmem>>) target(%dma_start3A_43 : memref<10240x48xf32, #tpu.memory_space<vmem_shared>>) offsets(%dma_start3A_40 : memref<80xi32, #tpu.memory_space<vmem>>) semaphore(%run_scoped3A_37 : memref<!tpu.dma_semaphore, #tpu.memory_space<semaphore_mem>>) {add = true}
        %dma_wait3A_44 = arith.constant 0 : i32
        %dma_wait3A_45 = tpu.memref_slice %arg8[%run_scoped3A, %dma_wait3A_44] : memref<25x80xi32, #tpu.memory_space<vmem>> -> memref<1x80xi32, #tpu.memory_space<vmem>>
        %dma_wait3A_46 = tpu.memref_squeeze %dma_wait3A_45 : memref<1x80xi32, #tpu.memory_space<vmem>> -> memref<80xi32, #tpu.memory_space<vmem>>
        %dma_wait3A_47 = arith.constant 0 : i32
        %dma_wait3A_48 = arith.constant 0 : i32
        %dma_wait3A_49 = tpu.memref_slice %arg11[%dma_wait3A_47, %dma_wait3A_48] : memref<10240x48xf32, #tpu.memory_space<vmem_shared>> -> memref<10240x48xf32, #tpu.memory_space<vmem_shared>>
        tpu.wait_indirect_dma semaphore(%run_scoped3A_37 : memref<!tpu.dma_semaphore, #tpu.memory_space<semaphore_mem>>) src(%arg9 : memref<80x48xf32, #tpu.memory_space<vmem>>) dst(%dma_wait3A_49 : memref<10240x48xf32, #tpu.memory_space<vmem_shared>>)
        tpu.yield
      }) : () -> ()
    }
    %scan3A_9 = arith.constant 5 : i32
    %barrier3A_10 = arith.constant 0 : index
    tpu.barrier barrier_id(%barrier3A_10)
    %mul3A_11 = arith.constant 640 : i32
    %mul3A_12 = arith.muli %arg1, %mul3A_11 : i32
    %mul3A_13 = arith.constant 640 : i32
    %mul3A_14 = arith.muli %arg1, %mul3A_13 : i32
    "tpu.region"() ({
      %run_scoped3A = tpu.sem_alloc : memref<!tpu.dma_semaphore, #tpu.memory_space<semaphore_mem>>
      %dma_start3A = arith.constant 0 : i32
      %dma_start3A_15 = tpu.memref_slice %arg6[%arg0, %mul3A_14, %dma_start3A] : memref<2x10240x48xf32, #tpu.memory_space<hbm>> -> memref<1x640x48xf32, #tpu.memory_space<hbm>>
      %dma_start3A_16 = tpu.memref_squeeze %dma_start3A_15 : memref<1x640x48xf32, #tpu.memory_space<hbm>> -> memref<640x48xf32, #tpu.memory_space<hbm>>
      %dma_start3A_17 = arith.constant 0 : i32
      %dma_start3A_18 = tpu.memref_slice %arg11[%mul3A_12, %dma_start3A_17] : memref<10240x48xf32, #tpu.memory_space<vmem_shared>> -> memref<640x48xf32, #tpu.memory_space<vmem_shared>>
      tpu.enqueue_dma source(%dma_start3A_18 : memref<640x48xf32, #tpu.memory_space<vmem_shared>>) target(%dma_start3A_16 : memref<640x48xf32, #tpu.memory_space<hbm>>) target_semaphore(%run_scoped3A : memref<!tpu.dma_semaphore, #tpu.memory_space<semaphore_mem>>)
      %dma_wait3A = arith.constant 0 : i32
      %dma_wait3A_19 = tpu.memref_slice %arg6[%arg0, %mul3A_14, %dma_wait3A] : memref<2x10240x48xf32, #tpu.memory_space<hbm>> -> memref<1x640x48xf32, #tpu.memory_space<hbm>>
      %dma_wait3A_20 = tpu.memref_squeeze %dma_wait3A_19 : memref<1x640x48xf32, #tpu.memory_space<hbm>> -> memref<640x48xf32, #tpu.memory_space<hbm>>
      %dma_wait3A_21 = arith.constant 0 : i32
      %dma_wait3A_22 = tpu.memref_slice %arg11[%mul3A_12, %dma_wait3A_21] : memref<10240x48xf32, #tpu.memory_space<vmem_shared>> -> memref<640x48xf32, #tpu.memory_space<vmem_shared>>
      tpu.wait_dma2 semaphore(%run_scoped3A : memref<!tpu.dma_semaphore, #tpu.memory_space<semaphore_mem>>) src(%dma_wait3A_22 : memref<640x48xf32, #tpu.memory_space<vmem_shared>>) dst(%dma_wait3A_20 : memref<640x48xf32, #tpu.memory_space<hbm>>)
      tpu.yield
    }) : () -> ()
    return
  }
}

#map = affine_map<(d0, d1) -> (0, 0, 0, 0)>
#map1 = affine_map<(d0, d1) -> (0, 0)>
#map2 = affine_map<(d0, d1) -> (0, 0, 0)>
module attributes {stable_mosaic.version = 14 : i64} {
  func.func @sc_degree(%arg0: i32, %arg1: i32, %arg2: memref<32x5x25x80xi32, #tpu.memory_space<hbm>>, %arg3: memref<80x8xf32, #tpu.memory_space<hbm>>, %arg4: memref<128x8xf32, #tpu.memory_space<hbm>>, %arg5: memref<2x10240x8xf32, #tpu.memory_space<hbm>>, %arg6: memref<25x80xi32, #tpu.memory_space<vmem>>, %arg7: memref<80x8xf32, #tpu.memory_space<vmem>>, %arg8: memref<10240x8xf32, #tpu.memory_space<vmem_shared>>, %arg9: memref<!tpu.dma_semaphore, #tpu.memory_space<semaphore_mem>>) attributes {dimension_semantics = [#tpu.dimension_semantics<core_parallel>, #tpu.dimension_semantics<subcore_parallel>], iteration_bounds = array<i64: 2, 16>, scalar_prefetch = 0 : i64, scratch_operands = 4 : i64, tpu.core_type = #tpu.core_type<sc_vector_subcore>, window_params = [{transform_indices = #map}, {transform_indices = #map1}, {transform_indices = #map1}, {transform_indices = #map2}]} {
    %mul3A = arith.constant 16 : i32
    %mul3A_0 = arith.muli %arg0, %mul3A : i32
    %add3A = arith.addi %mul3A_0, %arg1 : i32
    "tpu.region"() ({
      %run_scoped3A = tpu.sem_alloc : memref<!tpu.dma_semaphore, #tpu.memory_space<semaphore_mem>>
      tpu.enqueue_dma source(%arg3 : memref<80x8xf32, #tpu.memory_space<hbm>>) target(%arg7 : memref<80x8xf32, #tpu.memory_space<vmem>>) target_semaphore(%run_scoped3A : memref<!tpu.dma_semaphore, #tpu.memory_space<semaphore_mem>>)
      tpu.wait_dma2 semaphore(%run_scoped3A : memref<!tpu.dma_semaphore, #tpu.memory_space<semaphore_mem>>) src(%arg3 : memref<80x8xf32, #tpu.memory_space<hbm>>) dst(%arg7 : memref<80x8xf32, #tpu.memory_space<vmem>>)
      tpu.yield
    }) : () -> ()
    %scan3A = arith.constant 0 : i32
    %scan3A_1 = arith.constant 5 : i32
    %scan3A_2 = arith.addi %scan3A, %scan3A_1 : i32
    %scan3A_3 = arith.constant 1 : i32
    scf.for %scan3A_15 = %scan3A to %scan3A_2 step %scan3A_3  : i32 {
      %mul3A_16 = arith.constant 1 : i32
      %mul3A_17 = arith.muli %scan3A_15, %mul3A_16 : i32
      %add3A_18 = arith.constant 0 : i32
      %add3A_19 = arith.addi %add3A_18, %mul3A_17 : i32
      %mul3A_20 = arith.constant 640 : i32
      %mul3A_21 = arith.muli %arg1, %mul3A_20 : i32
      %mul3A_22 = arith.constant 128 : i32
      %mul3A_23 = arith.muli %add3A_19, %mul3A_22 : i32
      %add3A_24 = arith.addi %mul3A_21, %mul3A_23 : i32
      "tpu.region"() ({
        %run_scoped3A = tpu.sem_alloc : memref<!tpu.dma_semaphore, #tpu.memory_space<semaphore_mem>>
        %dma_start3A = arith.constant 0 : i32
        %dma_start3A_25 = tpu.memref_slice %arg8[%add3A_24, %dma_start3A] : memref<10240x8xf32, #tpu.memory_space<vmem_shared>> -> memref<128x8xf32, #tpu.memory_space<vmem_shared>>
        tpu.enqueue_dma source(%arg4 : memref<128x8xf32, #tpu.memory_space<hbm>>) target(%dma_start3A_25 : memref<128x8xf32, #tpu.memory_space<vmem_shared>>) target_semaphore(%run_scoped3A : memref<!tpu.dma_semaphore, #tpu.memory_space<semaphore_mem>>)
        %dma_wait3A = arith.constant 0 : i32
        %dma_wait3A_26 = tpu.memref_slice %arg8[%add3A_24, %dma_wait3A] : memref<10240x8xf32, #tpu.memory_space<vmem_shared>> -> memref<128x8xf32, #tpu.memory_space<vmem_shared>>
        tpu.wait_dma2 semaphore(%run_scoped3A : memref<!tpu.dma_semaphore, #tpu.memory_space<semaphore_mem>>) src(%arg4 : memref<128x8xf32, #tpu.memory_space<hbm>>) dst(%dma_wait3A_26 : memref<128x8xf32, #tpu.memory_space<vmem_shared>>)
        tpu.yield
      }) : () -> ()
    }
    %scan3A_4 = arith.constant 5 : i32
    %barrier3A = arith.constant 0 : index
    tpu.barrier barrier_id(%barrier3A)
    %scan3A_5 = arith.constant 0 : i32
    %scan3A_6 = arith.constant 5 : i32
    %scan3A_7 = arith.addi %scan3A_5, %scan3A_6 : i32
    %scan3A_8 = arith.constant 1 : i32
    scf.for %scan3A_15 = %scan3A_5 to %scan3A_7 step %scan3A_8  : i32 {
      %mul3A_16 = arith.constant 1 : i32
      %mul3A_17 = arith.muli %scan3A_15, %mul3A_16 : i32
      %add3A_18 = arith.constant 0 : i32
      %add3A_19 = arith.addi %add3A_18, %mul3A_17 : i32
      "tpu.region"() ({
        %run_scoped3A = tpu.sem_alloc : memref<!tpu.dma_semaphore, #tpu.memory_space<semaphore_mem>>
        %dma_start3A = arith.constant 0 : i32
        %dma_start3A_25 = arith.constant 0 : i32
        %dma_start3A_26 = tpu.memref_slice %arg2[%add3A, %add3A_19, %dma_start3A, %dma_start3A_25] : memref<32x5x25x80xi32, #tpu.memory_space<hbm>> -> memref<1x1x25x80xi32, #tpu.memory_space<hbm>>
        %dma_start3A_27 = tpu.memref_squeeze %dma_start3A_26 : memref<1x1x25x80xi32, #tpu.memory_space<hbm>> -> memref<25x80xi32, #tpu.memory_space<hbm>>
        %dma_start3A_28 = arith.constant 0 : i32
        %dma_start3A_29 = arith.constant 0 : i32
        %dma_start3A_30 = tpu.memref_slice %arg2[%add3A, %add3A_19, %dma_start3A_28, %dma_start3A_29] : memref<32x5x25x80xi32, #tpu.memory_space<hbm>> -> memref<1x1x25x80xi32, #tpu.memory_space<hbm>>
        %dma_start3A_31 = tpu.memref_squeeze %dma_start3A_30 : memref<1x1x25x80xi32, #tpu.memory_space<hbm>> -> memref<25x80xi32, #tpu.memory_space<hbm>>
        tpu.enqueue_dma source(%dma_start3A_31 : memref<25x80xi32, #tpu.memory_space<hbm>>) target(%arg6 : memref<25x80xi32, #tpu.memory_space<vmem>>) target_semaphore(%run_scoped3A : memref<!tpu.dma_semaphore, #tpu.memory_space<semaphore_mem>>)
        %dma_wait3A = arith.constant 0 : i32
        %dma_wait3A_32 = arith.constant 0 : i32
        %dma_wait3A_33 = tpu.memref_slice %arg2[%add3A, %add3A_19, %dma_wait3A, %dma_wait3A_32] : memref<32x5x25x80xi32, #tpu.memory_space<hbm>> -> memref<1x1x25x80xi32, #tpu.memory_space<hbm>>
        %dma_wait3A_34 = tpu.memref_squeeze %dma_wait3A_33 : memref<1x1x25x80xi32, #tpu.memory_space<hbm>> -> memref<25x80xi32, #tpu.memory_space<hbm>>
        %dma_wait3A_35 = arith.constant 0 : i32
        %dma_wait3A_36 = arith.constant 0 : i32
        %dma_wait3A_37 = tpu.memref_slice %arg2[%add3A, %add3A_19, %dma_wait3A_35, %dma_wait3A_36] : memref<32x5x25x80xi32, #tpu.memory_space<hbm>> -> memref<1x1x25x80xi32, #tpu.memory_space<hbm>>
        %dma_wait3A_38 = tpu.memref_squeeze %dma_wait3A_37 : memref<1x1x25x80xi32, #tpu.memory_space<hbm>> -> memref<25x80xi32, #tpu.memory_space<hbm>>
        tpu.wait_dma2 semaphore(%run_scoped3A : memref<!tpu.dma_semaphore, #tpu.memory_space<semaphore_mem>>) src(%dma_wait3A_38 : memref<25x80xi32, #tpu.memory_space<hbm>>) dst(%arg6 : memref<25x80xi32, #tpu.memory_space<vmem>>)
        tpu.yield
      }) : () -> ()
      %scan3A_20 = arith.constant 0 : i32
      %scan3A_21 = arith.constant 25 : i32
      %scan3A_22 = arith.addi %scan3A_20, %scan3A_21 : i32
      %scan3A_23 = arith.constant 1 : i32
      scf.for %scan3A_25 = %scan3A_20 to %scan3A_22 step %scan3A_23  : i32 {
        %mul3A_26 = arith.constant 1 : i32
        %mul3A_27 = arith.muli %scan3A_25, %mul3A_26 : i32
        %add3A_28 = arith.constant 0 : i32
        %add3A_29 = arith.addi %add3A_28, %mul3A_27 : i32
        "tpu.region"() ({
          %run_scoped3A = tpu.sem_alloc : memref<!tpu.dma_semaphore, #tpu.memory_space<semaphore_mem>>
          %dma_start3A = arith.constant 0 : i32
          %dma_start3A_30 = tpu.memref_slice %arg6[%add3A_29, %dma_start3A] : memref<25x80xi32, #tpu.memory_space<vmem>> -> memref<1x80xi32, #tpu.memory_space<vmem>>
          %dma_start3A_31 = tpu.memref_squeeze %dma_start3A_30 : memref<1x80xi32, #tpu.memory_space<vmem>> -> memref<80xi32, #tpu.memory_space<vmem>>
          %dma_start3A_32 = arith.constant 0 : i32
          %dma_start3A_33 = arith.constant 0 : i32
          %dma_start3A_34 = tpu.memref_slice %arg8[%dma_start3A_32, %dma_start3A_33] : memref<10240x8xf32, #tpu.memory_space<vmem_shared>> -> memref<10240x8xf32, #tpu.memory_space<vmem_shared>>
          tpu.enqueue_indirect_dma source(%arg7 : memref<80x8xf32, #tpu.memory_space<vmem>>) target(%dma_start3A_34 : memref<10240x8xf32, #tpu.memory_space<vmem_shared>>) offsets(%dma_start3A_31 : memref<80xi32, #tpu.memory_space<vmem>>) semaphore(%run_scoped3A : memref<!tpu.dma_semaphore, #tpu.memory_space<semaphore_mem>>) {add = true}
          %dma_wait3A = arith.constant 0 : i32
          %dma_wait3A_35 = tpu.memref_slice %arg6[%add3A_29, %dma_wait3A] : memref<25x80xi32, #tpu.memory_space<vmem>> -> memref<1x80xi32, #tpu.memory_space<vmem>>
          %dma_wait3A_36 = tpu.memref_squeeze %dma_wait3A_35 : memref<1x80xi32, #tpu.memory_space<vmem>> -> memref<80xi32, #tpu.memory_space<vmem>>
          %dma_wait3A_37 = arith.constant 0 : i32
          %dma_wait3A_38 = arith.constant 0 : i32
          %dma_wait3A_39 = tpu.memref_slice %arg8[%dma_wait3A_37, %dma_wait3A_38] : memref<10240x8xf32, #tpu.memory_space<vmem_shared>> -> memref<10240x8xf32, #tpu.memory_space<vmem_shared>>
          tpu.wait_indirect_dma semaphore(%run_scoped3A : memref<!tpu.dma_semaphore, #tpu.memory_space<semaphore_mem>>) src(%arg7 : memref<80x8xf32, #tpu.memory_space<vmem>>) dst(%dma_wait3A_39 : memref<10240x8xf32, #tpu.memory_space<vmem_shared>>)
          tpu.yield
        }) : () -> ()
      }
      %scan3A_24 = arith.constant 25 : i32
    }
    %scan3A_9 = arith.constant 5 : i32
    %barrier3A_10 = arith.constant 0 : index
    tpu.barrier barrier_id(%barrier3A_10)
    %mul3A_11 = arith.constant 640 : i32
    %mul3A_12 = arith.muli %arg1, %mul3A_11 : i32
    %mul3A_13 = arith.constant 640 : i32
    %mul3A_14 = arith.muli %arg1, %mul3A_13 : i32
    "tpu.region"() ({
      %run_scoped3A = tpu.sem_alloc : memref<!tpu.dma_semaphore, #tpu.memory_space<semaphore_mem>>
      %dma_start3A = arith.constant 0 : i32
      %dma_start3A_15 = tpu.memref_slice %arg5[%arg0, %mul3A_14, %dma_start3A] : memref<2x10240x8xf32, #tpu.memory_space<hbm>> -> memref<1x640x8xf32, #tpu.memory_space<hbm>>
      %dma_start3A_16 = tpu.memref_squeeze %dma_start3A_15 : memref<1x640x8xf32, #tpu.memory_space<hbm>> -> memref<640x8xf32, #tpu.memory_space<hbm>>
      %dma_start3A_17 = arith.constant 0 : i32
      %dma_start3A_18 = tpu.memref_slice %arg8[%mul3A_12, %dma_start3A_17] : memref<10240x8xf32, #tpu.memory_space<vmem_shared>> -> memref<640x8xf32, #tpu.memory_space<vmem_shared>>
      tpu.enqueue_dma source(%dma_start3A_18 : memref<640x8xf32, #tpu.memory_space<vmem_shared>>) target(%dma_start3A_16 : memref<640x8xf32, #tpu.memory_space<hbm>>) target_semaphore(%run_scoped3A : memref<!tpu.dma_semaphore, #tpu.memory_space<semaphore_mem>>)
      %dma_wait3A = arith.constant 0 : i32
      %dma_wait3A_19 = tpu.memref_slice %arg5[%arg0, %mul3A_14, %dma_wait3A] : memref<2x10240x8xf32, #tpu.memory_space<hbm>> -> memref<1x640x8xf32, #tpu.memory_space<hbm>>
      %dma_wait3A_20 = tpu.memref_squeeze %dma_wait3A_19 : memref<1x640x8xf32, #tpu.memory_space<hbm>> -> memref<640x8xf32, #tpu.memory_space<hbm>>
      %dma_wait3A_21 = arith.constant 0 : i32
      %dma_wait3A_22 = tpu.memref_slice %arg8[%mul3A_12, %dma_wait3A_21] : memref<10240x8xf32, #tpu.memory_space<vmem_shared>> -> memref<640x8xf32, #tpu.memory_space<vmem_shared>>
      tpu.wait_dma2 semaphore(%run_scoped3A : memref<!tpu.dma_semaphore, #tpu.memory_space<semaphore_mem>>) src(%dma_wait3A_22 : memref<640x8xf32, #tpu.memory_space<vmem_shared>>) dst(%dma_wait3A_20 : memref<640x8xf32, #tpu.memory_space<hbm>>)
      tpu.yield
    }) : () -> ()
    return
  }
}

#map = affine_map<(d0, d1) -> (0, 0, 0, 0)>
#map1 = affine_map<(d0, d1) -> (0, 0)>
#map2 = affine_map<(d0, d1) -> (0, 0, 0)>
module attributes {stable_mosaic.version = 14 : i64} {
  func.func @sc_scatter(%arg0: i32, %arg1: i32, %arg2: memref<32x5x25x80xi32, #tpu.memory_space<hbm>>, %arg3: memref<32x5x25x80xi32, #tpu.memory_space<hbm>>, %arg4: memref<10000x128xf32, #tpu.memory_space<hbm>>, %arg5: memref<128x128xf32, #tpu.memory_space<hbm>>, %arg6: memref<2x10240x128xf32, #tpu.memory_space<hbm>>, %arg7: memref<25x80xi32, #tpu.memory_space<vmem>>, %arg8: memref<25x80xi32, #tpu.memory_space<vmem>>, %arg9: memref<80x128xf32, #tpu.memory_space<vmem>>, %arg10: memref<80x128xf32, #tpu.memory_space<vmem>>, %arg11: memref<10240x128xf32, #tpu.memory_space<vmem_shared>>, %arg12: memref<!tpu.dma_semaphore, #tpu.memory_space<semaphore_mem>>, %arg13: memref<!tpu.dma_semaphore, #tpu.memory_space<semaphore_mem>>) attributes {dimension_semantics = [#tpu.dimension_semantics<core_parallel>, #tpu.dimension_semantics<subcore_parallel>], iteration_bounds = array<i64: 2, 16>, scalar_prefetch = 0 : i64, scratch_operands = 7 : i64, tpu.core_type = #tpu.core_type<sc_vector_subcore>, window_params = [{transform_indices = #map}, {transform_indices = #map}, {transform_indices = #map1}, {transform_indices = #map1}, {transform_indices = #map2}]} {
    %mul3A = arith.constant 16 : i32
    %mul3A_0 = arith.muli %arg0, %mul3A : i32
    %add3A = arith.addi %mul3A_0, %arg1 : i32
    %scan3A = arith.constant 0 : i32
    %scan3A_1 = arith.constant 5 : i32
    %scan3A_2 = arith.addi %scan3A, %scan3A_1 : i32
    %scan3A_3 = arith.constant 1 : i32
    scf.for %scan3A_15 = %scan3A to %scan3A_2 step %scan3A_3  : i32 {
      %mul3A_16 = arith.constant 1 : i32
      %mul3A_17 = arith.muli %scan3A_15, %mul3A_16 : i32
      %add3A_18 = arith.constant 0 : i32
      %add3A_19 = arith.addi %add3A_18, %mul3A_17 : i32
      %mul3A_20 = arith.constant 640 : i32
      %mul3A_21 = arith.muli %arg1, %mul3A_20 : i32
      %mul3A_22 = arith.constant 128 : i32
      %mul3A_23 = arith.muli %add3A_19, %mul3A_22 : i32
      %add3A_24 = arith.addi %mul3A_21, %mul3A_23 : i32
      "tpu.region"() ({
        %run_scoped3A = tpu.sem_alloc : memref<!tpu.dma_semaphore, #tpu.memory_space<semaphore_mem>>
        %dma_start3A = arith.constant 0 : i32
        %dma_start3A_25 = tpu.memref_slice %arg11[%add3A_24, %dma_start3A] : memref<10240x128xf32, #tpu.memory_space<vmem_shared>> -> memref<128x128xf32, #tpu.memory_space<vmem_shared>>
        tpu.enqueue_dma source(%arg5 : memref<128x128xf32, #tpu.memory_space<hbm>>) target(%dma_start3A_25 : memref<128x128xf32, #tpu.memory_space<vmem_shared>>) target_semaphore(%run_scoped3A : memref<!tpu.dma_semaphore, #tpu.memory_space<semaphore_mem>>)
        %dma_wait3A = arith.constant 0 : i32
        %dma_wait3A_26 = tpu.memref_slice %arg11[%add3A_24, %dma_wait3A] : memref<10240x128xf32, #tpu.memory_space<vmem_shared>> -> memref<128x128xf32, #tpu.memory_space<vmem_shared>>
        tpu.wait_dma2 semaphore(%run_scoped3A : memref<!tpu.dma_semaphore, #tpu.memory_space<semaphore_mem>>) src(%arg5 : memref<128x128xf32, #tpu.memory_space<hbm>>) dst(%dma_wait3A_26 : memref<128x128xf32, #tpu.memory_space<vmem_shared>>)
        tpu.yield
      }) : () -> ()
    }
    %scan3A_4 = arith.constant 5 : i32
    %barrier3A = arith.constant 0 : index
    tpu.barrier barrier_id(%barrier3A)
    %scan3A_5 = arith.constant 0 : i32
    %scan3A_6 = arith.constant 5 : i32
    %scan3A_7 = arith.addi %scan3A_5, %scan3A_6 : i32
    %scan3A_8 = arith.constant 1 : i32
    scf.for %scan3A_15 = %scan3A_5 to %scan3A_7 step %scan3A_8  : i32 {
      %mul3A_16 = arith.constant 1 : i32
      %mul3A_17 = arith.muli %scan3A_15, %mul3A_16 : i32
      %add3A_18 = arith.constant 0 : i32
      %add3A_19 = arith.addi %add3A_18, %mul3A_17 : i32
      "tpu.region"() ({
        %run_scoped3A_37 = tpu.sem_alloc : memref<!tpu.dma_semaphore, #tpu.memory_space<semaphore_mem>>
        %dma_start3A_38 = arith.constant 0 : i32
        %dma_start3A_39 = arith.constant 0 : i32
        %dma_start3A_40 = tpu.memref_slice %arg2[%add3A, %add3A_19, %dma_start3A_38, %dma_start3A_39] : memref<32x5x25x80xi32, #tpu.memory_space<hbm>> -> memref<1x1x25x80xi32, #tpu.memory_space<hbm>>
        %dma_start3A_41 = tpu.memref_squeeze %dma_start3A_40 : memref<1x1x25x80xi32, #tpu.memory_space<hbm>> -> memref<25x80xi32, #tpu.memory_space<hbm>>
        %dma_start3A_42 = arith.constant 0 : i32
        %dma_start3A_43 = arith.constant 0 : i32
        %dma_start3A_44 = tpu.memref_slice %arg2[%add3A, %add3A_19, %dma_start3A_42, %dma_start3A_43] : memref<32x5x25x80xi32, #tpu.memory_space<hbm>> -> memref<1x1x25x80xi32, #tpu.memory_space<hbm>>
        %dma_start3A_45 = tpu.memref_squeeze %dma_start3A_44 : memref<1x1x25x80xi32, #tpu.memory_space<hbm>> -> memref<25x80xi32, #tpu.memory_space<hbm>>
        tpu.enqueue_dma source(%dma_start3A_45 : memref<25x80xi32, #tpu.memory_space<hbm>>) target(%arg7 : memref<25x80xi32, #tpu.memory_space<vmem>>) target_semaphore(%run_scoped3A_37 : memref<!tpu.dma_semaphore, #tpu.memory_space<semaphore_mem>>)
        %dma_wait3A_46 = arith.constant 0 : i32
        %dma_wait3A_47 = arith.constant 0 : i32
        %dma_wait3A_48 = tpu.memref_slice %arg2[%add3A, %add3A_19, %dma_wait3A_46, %dma_wait3A_47] : memref<32x5x25x80xi32, #tpu.memory_space<hbm>> -> memref<1x1x25x80xi32, #tpu.memory_space<hbm>>
        %dma_wait3A_49 = tpu.memref_squeeze %dma_wait3A_48 : memref<1x1x25x80xi32, #tpu.memory_space<hbm>> -> memref<25x80xi32, #tpu.memory_space<hbm>>
        %dma_wait3A_50 = arith.constant 0 : i32
        %dma_wait3A_51 = arith.constant 0 : i32
        %dma_wait3A_52 = tpu.memref_slice %arg2[%add3A, %add3A_19, %dma_wait3A_50, %dma_wait3A_51] : memref<32x5x25x80xi32, #tpu.memory_space<hbm>> -> memref<1x1x25x80xi32, #tpu.memory_space<hbm>>
        %dma_wait3A_53 = tpu.memref_squeeze %dma_wait3A_52 : memref<1x1x25x80xi32, #tpu.memory_space<hbm>> -> memref<25x80xi32, #tpu.memory_space<hbm>>
        tpu.wait_dma2 semaphore(%run_scoped3A_37 : memref<!tpu.dma_semaphore, #tpu.memory_space<semaphore_mem>>) src(%dma_wait3A_53 : memref<25x80xi32, #tpu.memory_space<hbm>>) dst(%arg7 : memref<25x80xi32, #tpu.memory_space<vmem>>)
        tpu.yield
      }) : () -> ()
      "tpu.region"() ({
        %run_scoped3A_37 = tpu.sem_alloc : memref<!tpu.dma_semaphore, #tpu.memory_space<semaphore_mem>>
        %dma_start3A_38 = arith.constant 0 : i32
        %dma_start3A_39 = arith.constant 0 : i32
        %dma_start3A_40 = tpu.memref_slice %arg3[%add3A, %add3A_19, %dma_start3A_38, %dma_start3A_39] : memref<32x5x25x80xi32, #tpu.memory_space<hbm>> -> memref<1x1x25x80xi32, #tpu.memory_space<hbm>>
        %dma_start3A_41 = tpu.memref_squeeze %dma_start3A_40 : memref<1x1x25x80xi32, #tpu.memory_space<hbm>> -> memref<25x80xi32, #tpu.memory_space<hbm>>
        %dma_start3A_42 = arith.constant 0 : i32
        %dma_start3A_43 = arith.constant 0 : i32
        %dma_start3A_44 = tpu.memref_slice %arg3[%add3A, %add3A_19, %dma_start3A_42, %dma_start3A_43] : memref<32x5x25x80xi32, #tpu.memory_space<hbm>> -> memref<1x1x25x80xi32, #tpu.memory_space<hbm>>
        %dma_start3A_45 = tpu.memref_squeeze %dma_start3A_44 : memref<1x1x25x80xi32, #tpu.memory_space<hbm>> -> memref<25x80xi32, #tpu.memory_space<hbm>>
        tpu.enqueue_dma source(%dma_start3A_45 : memref<25x80xi32, #tpu.memory_space<hbm>>) target(%arg8 : memref<25x80xi32, #tpu.memory_space<vmem>>) target_semaphore(%run_scoped3A_37 : memref<!tpu.dma_semaphore, #tpu.memory_space<semaphore_mem>>)
        %dma_wait3A_46 = arith.constant 0 : i32
        %dma_wait3A_47 = arith.constant 0 : i32
        %dma_wait3A_48 = tpu.memref_slice %arg3[%add3A, %add3A_19, %dma_wait3A_46, %dma_wait3A_47] : memref<32x5x25x80xi32, #tpu.memory_space<hbm>> -> memref<1x1x25x80xi32, #tpu.memory_space<hbm>>
        %dma_wait3A_49 = tpu.memref_squeeze %dma_wait3A_48 : memref<1x1x25x80xi32, #tpu.memory_space<hbm>> -> memref<25x80xi32, #tpu.memory_space<hbm>>
        %dma_wait3A_50 = arith.constant 0 : i32
        %dma_wait3A_51 = arith.constant 0 : i32
        %dma_wait3A_52 = tpu.memref_slice %arg3[%add3A, %add3A_19, %dma_wait3A_50, %dma_wait3A_51] : memref<32x5x25x80xi32, #tpu.memory_space<hbm>> -> memref<1x1x25x80xi32, #tpu.memory_space<hbm>>
        %dma_wait3A_53 = tpu.memref_squeeze %dma_wait3A_52 : memref<1x1x25x80xi32, #tpu.memory_space<hbm>> -> memref<25x80xi32, #tpu.memory_space<hbm>>
        tpu.wait_dma2 semaphore(%run_scoped3A_37 : memref<!tpu.dma_semaphore, #tpu.memory_space<semaphore_mem>>) src(%dma_wait3A_53 : memref<25x80xi32, #tpu.memory_space<hbm>>) dst(%arg8 : memref<25x80xi32, #tpu.memory_space<vmem>>)
        tpu.yield
      }) : () -> ()
      %dma_start3A = arith.constant 0 : i32
      %dma_start3A_20 = arith.constant 0 : i32
      %dma_start3A_21 = tpu.memref_slice %arg7[%dma_start3A, %dma_start3A_20] : memref<25x80xi32, #tpu.memory_space<vmem>> -> memref<1x80xi32, #tpu.memory_space<vmem>>
      %dma_start3A_22 = tpu.memref_squeeze %dma_start3A_21 : memref<1x80xi32, #tpu.memory_space<vmem>> -> memref<80xi32, #tpu.memory_space<vmem>>
      %dma_start3A_23 = arith.constant 0 : i32
      %dma_start3A_24 = arith.constant 0 : i32
      %dma_start3A_25 = tpu.memref_slice %arg4[%dma_start3A_23, %dma_start3A_24] : memref<10000x128xf32, #tpu.memory_space<hbm>> -> memref<10000x128xf32, #tpu.memory_space<hbm>>
      tpu.enqueue_indirect_dma source(%dma_start3A_25 : memref<10000x128xf32, #tpu.memory_space<hbm>>) target(%arg9 : memref<80x128xf32, #tpu.memory_space<vmem>>) offsets(%dma_start3A_22 : memref<80xi32, #tpu.memory_space<vmem>>) semaphore(%arg12 : memref<!tpu.dma_semaphore, #tpu.memory_space<semaphore_mem>>)
      %scan3A_26 = arith.constant 0 : i32
      %scan3A_27 = arith.constant 12 : i32
      %scan3A_28 = arith.addi %scan3A_26, %scan3A_27 : i32
      %scan3A_29 = arith.constant 1 : i32
      scf.for %scan3A_37 = %scan3A_26 to %scan3A_28 step %scan3A_29  : i32 {
        %mul3A_38 = arith.constant 1 : i32
        %mul3A_39 = arith.muli %scan3A_37, %mul3A_38 : i32
        %add3A_40 = arith.constant 0 : i32
        %add3A_41 = arith.addi %add3A_40, %mul3A_39 : i32
        %mul3A_42 = arith.constant 2 : i32
        %mul3A_43 = arith.muli %mul3A_42, %add3A_41 : i32
        %dma_wait3A_44 = arith.constant 0 : i32
        %dma_wait3A_45 = tpu.memref_slice %arg7[%mul3A_43, %dma_wait3A_44] : memref<25x80xi32, #tpu.memory_space<vmem>> -> memref<1x80xi32, #tpu.memory_space<vmem>>
        %dma_wait3A_46 = tpu.memref_squeeze %dma_wait3A_45 : memref<1x80xi32, #tpu.memory_space<vmem>> -> memref<80xi32, #tpu.memory_space<vmem>>
        %dma_wait3A_47 = arith.constant 0 : i32
        %dma_wait3A_48 = arith.constant 0 : i32
        %dma_wait3A_49 = tpu.memref_slice %arg4[%dma_wait3A_47, %dma_wait3A_48] : memref<10000x128xf32, #tpu.memory_space<hbm>> -> memref<10000x128xf32, #tpu.memory_space<hbm>>
        tpu.wait_indirect_dma semaphore(%arg12 : memref<!tpu.dma_semaphore, #tpu.memory_space<semaphore_mem>>) src(%dma_wait3A_49 : memref<10000x128xf32, #tpu.memory_space<hbm>>) dst(%arg9 : memref<80x128xf32, #tpu.memory_space<vmem>>)
        %add3A_50 = arith.constant 1 : i32
        %add3A_51 = arith.addi %mul3A_43, %add3A_50 : i32
        %dma_start3A_52 = arith.constant 0 : i32
        %dma_start3A_53 = tpu.memref_slice %arg7[%add3A_51, %dma_start3A_52] : memref<25x80xi32, #tpu.memory_space<vmem>> -> memref<1x80xi32, #tpu.memory_space<vmem>>
        %dma_start3A_54 = tpu.memref_squeeze %dma_start3A_53 : memref<1x80xi32, #tpu.memory_space<vmem>> -> memref<80xi32, #tpu.memory_space<vmem>>
        %dma_start3A_55 = arith.constant 0 : i32
        %dma_start3A_56 = arith.constant 0 : i32
        %dma_start3A_57 = tpu.memref_slice %arg4[%dma_start3A_55, %dma_start3A_56] : memref<10000x128xf32, #tpu.memory_space<hbm>> -> memref<10000x128xf32, #tpu.memory_space<hbm>>
        tpu.enqueue_indirect_dma source(%dma_start3A_57 : memref<10000x128xf32, #tpu.memory_space<hbm>>) target(%arg10 : memref<80x128xf32, #tpu.memory_space<vmem>>) offsets(%dma_start3A_54 : memref<80xi32, #tpu.memory_space<vmem>>) semaphore(%arg13 : memref<!tpu.dma_semaphore, #tpu.memory_space<semaphore_mem>>)
        "tpu.region"() ({
          %run_scoped3A_76 = tpu.sem_alloc : memref<!tpu.dma_semaphore, #tpu.memory_space<semaphore_mem>>
          %dma_start3A_77 = arith.constant 0 : i32
          %dma_start3A_78 = tpu.memref_slice %arg8[%mul3A_43, %dma_start3A_77] : memref<25x80xi32, #tpu.memory_space<vmem>> -> memref<1x80xi32, #tpu.memory_space<vmem>>
          %dma_start3A_79 = tpu.memref_squeeze %dma_start3A_78 : memref<1x80xi32, #tpu.memory_space<vmem>> -> memref<80xi32, #tpu.memory_space<vmem>>
          %dma_start3A_80 = arith.constant 0 : i32
          %dma_start3A_81 = arith.constant 0 : i32
          %dma_start3A_82 = tpu.memref_slice %arg11[%dma_start3A_80, %dma_start3A_81] : memref<10240x128xf32, #tpu.memory_space<vmem_shared>> -> memref<10240x128xf32, #tpu.memory_space<vmem_shared>>
          tpu.enqueue_indirect_dma source(%arg9 : memref<80x128xf32, #tpu.memory_space<vmem>>) target(%dma_start3A_82 : memref<10240x128xf32, #tpu.memory_space<vmem_shared>>) offsets(%dma_start3A_79 : memref<80xi32, #tpu.memory_space<vmem>>) semaphore(%run_scoped3A_76 : memref<!tpu.dma_semaphore, #tpu.memory_space<semaphore_mem>>) {add = true}
          %dma_wait3A_83 = arith.constant 0 : i32
          %dma_wait3A_84 = tpu.memref_slice %arg8[%mul3A_43, %dma_wait3A_83] : memref<25x80xi32, #tpu.memory_space<vmem>> -> memref<1x80xi32, #tpu.memory_space<vmem>>
          %dma_wait3A_85 = tpu.memref_squeeze %dma_wait3A_84 : memref<1x80xi32, #tpu.memory_space<vmem>> -> memref<80xi32, #tpu.memory_space<vmem>>
          %dma_wait3A_86 = arith.constant 0 : i32
          %dma_wait3A_87 = arith.constant 0 : i32
          %dma_wait3A_88 = tpu.memref_slice %arg11[%dma_wait3A_86, %dma_wait3A_87] : memref<10240x128xf32, #tpu.memory_space<vmem_shared>> -> memref<10240x128xf32, #tpu.memory_space<vmem_shared>>
          tpu.wait_indirect_dma semaphore(%run_scoped3A_76 : memref<!tpu.dma_semaphore, #tpu.memory_space<semaphore_mem>>) src(%arg9 : memref<80x128xf32, #tpu.memory_space<vmem>>) dst(%dma_wait3A_88 : memref<10240x128xf32, #tpu.memory_space<vmem_shared>>)
          tpu.yield
        }) : () -> ()
        %add3A_58 = arith.constant 1 : i32
        %add3A_59 = arith.addi %mul3A_43, %add3A_58 : i32
        %dma_wait3A_60 = arith.constant 0 : i32
        %dma_wait3A_61 = tpu.memref_slice %arg7[%add3A_59, %dma_wait3A_60] : memref<25x80xi32, #tpu.memory_space<vmem>> -> memref<1x80xi32, #tpu.memory_space<vmem>>
        %dma_wait3A_62 = tpu.memref_squeeze %dma_wait3A_61 : memref<1x80xi32, #tpu.memory_space<vmem>> -> memref<80xi32, #tpu.memory_space<vmem>>
        %dma_wait3A_63 = arith.constant 0 : i32
        %dma_wait3A_64 = arith.constant 0 : i32
        %dma_wait3A_65 = tpu.memref_slice %arg4[%dma_wait3A_63, %dma_wait3A_64] : memref<10000x128xf32, #tpu.memory_space<hbm>> -> memref<10000x128xf32, #tpu.memory_space<hbm>>
        tpu.wait_indirect_dma semaphore(%arg13 : memref<!tpu.dma_semaphore, #tpu.memory_space<semaphore_mem>>) src(%dma_wait3A_65 : memref<10000x128xf32, #tpu.memory_space<hbm>>) dst(%arg10 : memref<80x128xf32, #tpu.memory_space<vmem>>)
        %add3A_66 = arith.constant 2 : i32
        %add3A_67 = arith.addi %mul3A_43, %add3A_66 : i32
        %dma_start3A_68 = arith.constant 0 : i32
        %dma_start3A_69 = tpu.memref_slice %arg7[%add3A_67, %dma_start3A_68] : memref<25x80xi32, #tpu.memory_space<vmem>> -> memref<1x80xi32, #tpu.memory_space<vmem>>
        %dma_start3A_70 = tpu.memref_squeeze %dma_start3A_69 : memref<1x80xi32, #tpu.memory_space<vmem>> -> memref<80xi32, #tpu.memory_space<vmem>>
        %dma_start3A_71 = arith.constant 0 : i32
        %dma_start3A_72 = arith.constant 0 : i32
        %dma_start3A_73 = tpu.memref_slice %arg4[%dma_start3A_71, %dma_start3A_72] : memref<10000x128xf32, #tpu.memory_space<hbm>> -> memref<10000x128xf32, #tpu.memory_space<hbm>>
        tpu.enqueue_indirect_dma source(%dma_start3A_73 : memref<10000x128xf32, #tpu.memory_space<hbm>>) target(%arg9 : memref<80x128xf32, #tpu.memory_space<vmem>>) offsets(%dma_start3A_70 : memref<80xi32, #tpu.memory_space<vmem>>) semaphore(%arg12 : memref<!tpu.dma_semaphore, #tpu.memory_space<semaphore_mem>>)
        %add3A_74 = arith.constant 1 : i32
        %add3A_75 = arith.addi %mul3A_43, %add3A_74 : i32
        "tpu.region"() ({
          %run_scoped3A_76 = tpu.sem_alloc : memref<!tpu.dma_semaphore, #tpu.memory_space<semaphore_mem>>
          %dma_start3A_77 = arith.constant 0 : i32
          %dma_start3A_78 = tpu.memref_slice %arg8[%add3A_75, %dma_start3A_77] : memref<25x80xi32, #tpu.memory_space<vmem>> -> memref<1x80xi32, #tpu.memory_space<vmem>>
          %dma_start3A_79 = tpu.memref_squeeze %dma_start3A_78 : memref<1x80xi32, #tpu.memory_space<vmem>> -> memref<80xi32, #tpu.memory_space<vmem>>
          %dma_start3A_80 = arith.constant 0 : i32
          %dma_start3A_81 = arith.constant 0 : i32
          %dma_start3A_82 = tpu.memref_slice %arg11[%dma_start3A_80, %dma_start3A_81] : memref<10240x128xf32, #tpu.memory_space<vmem_shared>> -> memref<10240x128xf32, #tpu.memory_space<vmem_shared>>
          tpu.enqueue_indirect_dma source(%arg10 : memref<80x128xf32, #tpu.memory_space<vmem>>) target(%dma_start3A_82 : memref<10240x128xf32, #tpu.memory_space<vmem_shared>>) offsets(%dma_start3A_79 : memref<80xi32, #tpu.memory_space<vmem>>) semaphore(%run_scoped3A_76 : memref<!tpu.dma_semaphore, #tpu.memory_space<semaphore_mem>>) {add = true}
          %dma_wait3A_83 = arith.constant 0 : i32
          %dma_wait3A_84 = tpu.memref_slice %arg8[%add3A_75, %dma_wait3A_83] : memref<25x80xi32, #tpu.memory_space<vmem>> -> memref<1x80xi32, #tpu.memory_space<vmem>>
          %dma_wait3A_85 = tpu.memref_squeeze %dma_wait3A_84 : memref<1x80xi32, #tpu.memory_space<vmem>> -> memref<80xi32, #tpu.memory_space<vmem>>
          %dma_wait3A_86 = arith.constant 0 : i32
          %dma_wait3A_87 = arith.constant 0 : i32
          %dma_wait3A_88 = tpu.memref_slice %arg11[%dma_wait3A_86, %dma_wait3A_87] : memref<10240x128xf32, #tpu.memory_space<vmem_shared>> -> memref<10240x128xf32, #tpu.memory_space<vmem_shared>>
          tpu.wait_indirect_dma semaphore(%run_scoped3A_76 : memref<!tpu.dma_semaphore, #tpu.memory_space<semaphore_mem>>) src(%arg10 : memref<80x128xf32, #tpu.memory_space<vmem>>) dst(%dma_wait3A_88 : memref<10240x128xf32, #tpu.memory_space<vmem_shared>>)
          tpu.yield
        }) : () -> ()
      }
      %scan3A_30 = arith.constant 12 : i32
      %dma_wait3A = arith.constant 24 : i32
      %dma_wait3A_31 = arith.constant 0 : i32
      %dma_wait3A_32 = tpu.memref_slice %arg7[%dma_wait3A, %dma_wait3A_31] : memref<25x80xi32, #tpu.memory_space<vmem>> -> memref<1x80xi32, #tpu.memory_space<vmem>>
      %dma_wait3A_33 = tpu.memref_squeeze %dma_wait3A_32 : memref<1x80xi32, #tpu.memory_space<vmem>> -> memref<80xi32, #tpu.memory_space<vmem>>
      %dma_wait3A_34 = arith.constant 0 : i32
      %dma_wait3A_35 = arith.constant 0 : i32
      %dma_wait3A_36 = tpu.memref_slice %arg4[%dma_wait3A_34, %dma_wait3A_35] : memref<10000x128xf32, #tpu.memory_space<hbm>> -> memref<10000x128xf32, #tpu.memory_space<hbm>>
      tpu.wait_indirect_dma semaphore(%arg12 : memref<!tpu.dma_semaphore, #tpu.memory_space<semaphore_mem>>) src(%dma_wait3A_36 : memref<10000x128xf32, #tpu.memory_space<hbm>>) dst(%arg9 : memref<80x128xf32, #tpu.memory_space<vmem>>)
      %run_scoped3A = arith.constant 24 : i32
      "tpu.region"() ({
        %run_scoped3A_37 = tpu.sem_alloc : memref<!tpu.dma_semaphore, #tpu.memory_space<semaphore_mem>>
        %dma_start3A_38 = arith.constant 0 : i32
        %dma_start3A_39 = tpu.memref_slice %arg8[%run_scoped3A, %dma_start3A_38] : memref<25x80xi32, #tpu.memory_space<vmem>> -> memref<1x80xi32, #tpu.memory_space<vmem>>
        %dma_start3A_40 = tpu.memref_squeeze %dma_start3A_39 : memref<1x80xi32, #tpu.memory_space<vmem>> -> memref<80xi32, #tpu.memory_space<vmem>>
        %dma_start3A_41 = arith.constant 0 : i32
        %dma_start3A_42 = arith.constant 0 : i32
        %dma_start3A_43 = tpu.memref_slice %arg11[%dma_start3A_41, %dma_start3A_42] : memref<10240x128xf32, #tpu.memory_space<vmem_shared>> -> memref<10240x128xf32, #tpu.memory_space<vmem_shared>>
        tpu.enqueue_indirect_dma source(%arg9 : memref<80x128xf32, #tpu.memory_space<vmem>>) target(%dma_start3A_43 : memref<10240x128xf32, #tpu.memory_space<vmem_shared>>) offsets(%dma_start3A_40 : memref<80xi32, #tpu.memory_space<vmem>>) semaphore(%run_scoped3A_37 : memref<!tpu.dma_semaphore, #tpu.memory_space<semaphore_mem>>) {add = true}
        %dma_wait3A_44 = arith.constant 0 : i32
        %dma_wait3A_45 = tpu.memref_slice %arg8[%run_scoped3A, %dma_wait3A_44] : memref<25x80xi32, #tpu.memory_space<vmem>> -> memref<1x80xi32, #tpu.memory_space<vmem>>
        %dma_wait3A_46 = tpu.memref_squeeze %dma_wait3A_45 : memref<1x80xi32, #tpu.memory_space<vmem>> -> memref<80xi32, #tpu.memory_space<vmem>>
        %dma_wait3A_47 = arith.constant 0 : i32
        %dma_wait3A_48 = arith.constant 0 : i32
        %dma_wait3A_49 = tpu.memref_slice %arg11[%dma_wait3A_47, %dma_wait3A_48] : memref<10240x128xf32, #tpu.memory_space<vmem_shared>> -> memref<10240x128xf32, #tpu.memory_space<vmem_shared>>
        tpu.wait_indirect_dma semaphore(%run_scoped3A_37 : memref<!tpu.dma_semaphore, #tpu.memory_space<semaphore_mem>>) src(%arg9 : memref<80x128xf32, #tpu.memory_space<vmem>>) dst(%dma_wait3A_49 : memref<10240x128xf32, #tpu.memory_space<vmem_shared>>)
        tpu.yield
      }) : () -> ()
    }
    %scan3A_9 = arith.constant 5 : i32
    %barrier3A_10 = arith.constant 0 : index
    tpu.barrier barrier_id(%barrier3A_10)
    %mul3A_11 = arith.constant 640 : i32
    %mul3A_12 = arith.muli %arg1, %mul3A_11 : i32
    %mul3A_13 = arith.constant 640 : i32
    %mul3A_14 = arith.muli %arg1, %mul3A_13 : i32
    "tpu.region"() ({
      %run_scoped3A = tpu.sem_alloc : memref<!tpu.dma_semaphore, #tpu.memory_space<semaphore_mem>>
      %dma_start3A = arith.constant 0 : i32
      %dma_start3A_15 = tpu.memref_slice %arg6[%arg0, %mul3A_14, %dma_start3A] : memref<2x10240x128xf32, #tpu.memory_space<hbm>> -> memref<1x640x128xf32, #tpu.memory_space<hbm>>
      %dma_start3A_16 = tpu.memref_squeeze %dma_start3A_15 : memref<1x640x128xf32, #tpu.memory_space<hbm>> -> memref<640x128xf32, #tpu.memory_space<hbm>>
      %dma_start3A_17 = arith.constant 0 : i32
      %dma_start3A_18 = tpu.memref_slice %arg11[%mul3A_12, %dma_start3A_17] : memref<10240x128xf32, #tpu.memory_space<vmem_shared>> -> memref<640x128xf32, #tpu.memory_space<vmem_shared>>
      tpu.enqueue_dma source(%dma_start3A_18 : memref<640x128xf32, #tpu.memory_space<vmem_shared>>) target(%dma_start3A_16 : memref<640x128xf32, #tpu.memory_space<hbm>>) target_semaphore(%run_scoped3A : memref<!tpu.dma_semaphore, #tpu.memory_space<semaphore_mem>>)
      %dma_wait3A = arith.constant 0 : i32
      %dma_wait3A_19 = tpu.memref_slice %arg6[%arg0, %mul3A_14, %dma_wait3A] : memref<2x10240x128xf32, #tpu.memory_space<hbm>> -> memref<1x640x128xf32, #tpu.memory_space<hbm>>
      %dma_wait3A_20 = tpu.memref_squeeze %dma_wait3A_19 : memref<1x640x128xf32, #tpu.memory_space<hbm>> -> memref<640x128xf32, #tpu.memory_space<hbm>>
      %dma_wait3A_21 = arith.constant 0 : i32
      %dma_wait3A_22 = tpu.memref_slice %arg11[%mul3A_12, %dma_wait3A_21] : memref<10240x128xf32, #tpu.memory_space<vmem_shared>> -> memref<640x128xf32, #tpu.memory_space<vmem_shared>>
      tpu.wait_dma2 semaphore(%run_scoped3A : memref<!tpu.dma_semaphore, #tpu.memory_space<semaphore_mem>>) src(%dma_wait3A_22 : memref<640x128xf32, #tpu.memory_space<vmem_shared>>) dst(%dma_wait3A_20 : memref<640x128xf32, #tpu.memory_space<hbm>>)
      tpu.yield
    }) : () -> ()
    return
  }
}

module attributes {stable_mosaic.version = 14 : i64} {
  func.func @_tc_norm_body(%arg0: i32, %arg1: memref<1x2000x8xf32, #tpu.memory_space<vmem>>, %arg2: memref<1x2000x8xf32, #tpu.memory_space<vmem>>, %arg3: memref<2000x128xf32, #tpu.memory_space<vmem>>, %arg4: memref<2000x8xf32, #tpu.memory_space<vmem>>, %arg5: memref<2000x128xf32, #tpu.memory_space<vmem>>) attributes {dimension_semantics = [#tpu.dimension_semantics<arbitrary>], iteration_bounds = array<i64: 5>, scalar_prefetch = 0 : i64, scratch_operands = 0 : i64, tpu.core_type = #tpu.core_type<tc>, window_params = [{transform_indices = @transform_0, window_bounds = array<i64: 1, 2000, 8>}, {transform_indices = @transform_1, window_bounds = array<i64: 1, 2000, 8>}, {transform_indices = @transform_2, window_bounds = array<i64: 2000, 128>}, {transform_indices = @transform_3, window_bounds = array<i64: 2000, 8>}, {transform_indices = @transform_4, window_bounds = array<i64: 2000, 128>}]} {
    %get3A = arith.constant 0 : index
    %get3A_0 = arith.constant 0 : index
    %get3A_1 = arith.constant 0 : index
    %get3A_2 = vector.load %arg1[%get3A, %get3A_0, %get3A_1] : memref<1x2000x8xf32, #tpu.memory_space<vmem>>, vector<1x2000x8xf32>
    %get3A_3 = vector.shape_cast %get3A_2 : vector<1x2000x8xf32> to vector<2000x8xf32>
    %get3A_4 = arith.constant 0 : index
    %get3A_5 = arith.constant 0 : index
    %get3A_6 = arith.constant 0 : index
    %get3A_7 = vector.load %arg2[%get3A_4, %get3A_5, %get3A_6] : memref<1x2000x8xf32, #tpu.memory_space<vmem>>, vector<1x2000x8xf32>
    %get3A_8 = vector.shape_cast %get3A_7 : vector<1x2000x8xf32> to vector<2000x8xf32>
    %add3A = arith.addf %get3A_3, %get3A_8 : vector<2000x8xf32>
    %add3A_9 = arith.constant 1.000000e+00 : f32
    %add3A_10 = vector.broadcast %add3A_9 : f32 to vector<2000x8xf32>
    %add3A_11 = arith.addf %add3A, %add3A_10 : vector<2000x8xf32>
    %rsqrt3A = math.rsqrt %add3A_11 : vector<2000x8xf32>
    %swap3A = arith.constant 0 : index
    %swap3A_12 = arith.constant 0 : index
    %swap3A_13 = vector.load %arg4[%swap3A, %swap3A_12] : memref<2000x8xf32, #tpu.memory_space<vmem>>, vector<2000x8xf32>
    tpu.vector_store %arg4[%swap3A, %swap3A_12], %rsqrt3A {strides = array<i32>} : memref<2000x8xf32, #tpu.memory_space<vmem>>, vector<2000x8xf32>,
    %slice3A = vector.extract_strided_slice %rsqrt3A {offsets = [0, 0], sizes = [2000, 1], strides = [1, 1]} : vector<2000x8xf32> to vector<2000x1xf32>
    %get3A_14 = arith.constant 0 : index
    %get3A_15 = arith.constant 0 : index
    %get3A_16 = vector.load %arg3[%get3A_14, %get3A_15] : memref<2000x128xf32, #tpu.memory_space<vmem>>, vector<2000x128xf32>
    %mul3A = vector.broadcast %slice3A : vector<2000x1xf32> to vector<2000x128xf32>
    %mul3A_17 = arith.mulf %mul3A, %get3A_16 : vector<2000x128xf32>
    %swap3A_18 = arith.constant 0 : index
    %swap3A_19 = arith.constant 0 : index
    %swap3A_20 = vector.load %arg5[%swap3A_18, %swap3A_19] : memref<2000x128xf32, #tpu.memory_space<vmem>>, vector<2000x128xf32>
    tpu.vector_store %arg5[%swap3A_18, %swap3A_19], %mul3A_17 {strides = array<i32>} : memref<2000x128xf32, #tpu.memory_space<vmem>>, vector<2000x128xf32>,
    return
  }
  func.func @transform_0(%arg0: i32) -> (i32, i32, i32) {
    %c0_i32 = arith.constant 0 : i32
    %c0_i32_0 = arith.constant 0 : i32
    %c0_i32_1 = arith.constant 0 : i32
    return %c0_i32, %arg0, %c0_i32_0 : i32, i32, i32
  }
  func.func @transform_1(%arg0: i32) -> (i32, i32, i32) {
    %c1_i32 = arith.constant 1 : i32
    %c0_i32 = arith.constant 0 : i32
    %c0_i32_0 = arith.constant 0 : i32
    return %c1_i32, %arg0, %c0_i32 : i32, i32, i32
  }
  func.func @transform_2(%arg0: i32) -> (i32, i32) {
    %c0_i32 = arith.constant 0 : i32
    %c0_i32_0 = arith.constant 0 : i32
    return %arg0, %c0_i32 : i32, i32
  }
  func.func @transform_3(%arg0: i32) -> (i32, i32) {
    %c0_i32 = arith.constant 0 : i32
    %c0_i32_0 = arith.constant 0 : i32
    return %arg0, %c0_i32 : i32, i32
  }
  func.func @transform_4(%arg0: i32) -> (i32, i32) {
    %c0_i32 = arith.constant 0 : i32
    %c0_i32_0 = arith.constant 0 : i32
    return %arg0, %c0_i32 : i32, i32
  }
}

module attributes {stable_mosaic.version = 14 : i64} {
  func.func @_tc_mid_body(%arg0: i32, %arg1: memref<1x2000x128xf32, #tpu.memory_space<vmem>>, %arg2: memref<1x2000x128xf32, #tpu.memory_space<vmem>>, %arg3: memref<2000x128xf32, #tpu.memory_space<vmem>>, %arg4: memref<2000x8xf32, #tpu.memory_space<vmem>>, %arg5: memref<128x256xf32, #tpu.memory_space<vmem>>, %arg6: memref<1x256xf32, #tpu.memory_space<vmem>>, %arg7: memref<256x48xf32, #tpu.memory_space<vmem>>, %arg8: memref<2000x48xf32, #tpu.memory_space<vmem>>) attributes {dimension_semantics = [#tpu.dimension_semantics<arbitrary>], iteration_bounds = array<i64: 5>, scalar_prefetch = 0 : i64, scratch_operands = 0 : i64, tpu.core_type = #tpu.core_type<tc>, window_params = [{transform_indices = @transform_0, window_bounds = array<i64: 1, 2000, 128>}, {transform_indices = @transform_1, window_bounds = array<i64: 1, 2000, 128>}, {transform_indices = @transform_2, window_bounds = array<i64: 2000, 128>}, {transform_indices = @transform_3, window_bounds = array<i64: 2000, 8>}, {pipeline_mode = #tpu.pipeline_mode<synchronous>, transform_indices = @transform_4, window_bounds = array<i64: 128, 256>}, {pipeline_mode = #tpu.pipeline_mode<synchronous>, transform_indices = @transform_5, window_bounds = array<i64: 1, 256>}, {pipeline_mode = #tpu.pipeline_mode<synchronous>, transform_indices = @transform_6, window_bounds = array<i64: 256, 48>}, {transform_indices = @transform_7, window_bounds = array<i64: 2000, 48>}]} {
    %get3A = arith.constant 0 : index
    %get3A_0 = arith.constant 0 : index
    %get3A_1 = vector.load %arg4[%get3A, %get3A_0] : memref<2000x8xf32, #tpu.memory_space<vmem>>, vector<2000x1xf32>
    %get3A_2 = arith.constant 0 : index
    %get3A_3 = arith.constant 0 : index
    %get3A_4 = arith.constant 0 : index
    %get3A_5 = vector.load %arg1[%get3A_2, %get3A_3, %get3A_4] : memref<1x2000x128xf32, #tpu.memory_space<vmem>>, vector<1x2000x128xf32>
    %get3A_6 = vector.shape_cast %get3A_5 : vector<1x2000x128xf32> to vector<2000x128xf32>
    %get3A_7 = arith.constant 0 : index
    %get3A_8 = arith.constant 0 : index
    %get3A_9 = arith.constant 0 : index
    %get3A_10 = vector.load %arg2[%get3A_7, %get3A_8, %get3A_9] : memref<1x2000x128xf32, #tpu.memory_space<vmem>>, vector<1x2000x128xf32>
    %get3A_11 = vector.shape_cast %get3A_10 : vector<1x2000x128xf32> to vector<2000x128xf32>
    %add3A = arith.addf %get3A_6, %get3A_11 : vector<2000x128xf32>
    %get3A_12 = arith.constant 0 : index
    %get3A_13 = arith.constant 0 : index
    %get3A_14 = vector.load %arg3[%get3A_12, %get3A_13] : memref<2000x128xf32, #tpu.memory_space<vmem>>, vector<2000x128xf32>
    %add3A_15 = arith.addf %add3A, %get3A_14 : vector<2000x128xf32>
    %mul3A = vector.broadcast %get3A_1 : vector<2000x1xf32> to vector<2000x128xf32>
    %mul3A_16 = arith.mulf %mul3A, %add3A_15 : vector<2000x128xf32>
    %get3A_17 = arith.constant 0 : index
    %get3A_18 = arith.constant 0 : index
    %get3A_19 = vector.load %arg5[%get3A_17, %get3A_18] : memref<128x256xf32, #tpu.memory_space<vmem>>, vector<128x256xf32>
    %dot_general3A = arith.constant dense<0.000000e+00> : vector<2000x256xf32>
    %dot_general3A_20 = tpu.matmul %mul3A_16, %get3A_19, %dot_general3A {dimension_numbers = #tpu.dot_dimension_numbers<[1], [0], [0], [1], [0, 0, 1, 1], [], []>, transpose_lhs_hint = false} : vector<2000x128xf32>, vector<128x256xf32>, vector<2000x256xf32> -> vector<2000x256xf32>
    %get3A_21 = arith.constant 0 : index
    %get3A_22 = arith.constant 0 : index
    %get3A_23 = vector.load %arg6[%get3A_21, %get3A_22] : memref<1x256xf32, #tpu.memory_space<vmem>>, vector<1x256xf32>
    %add3A_24 = vector.broadcast %get3A_23 : vector<1x256xf32> to vector<2000x256xf32>
    %add3A_25 = arith.addf %dot_general3A_20, %add3A_24 : vector<2000x256xf32>
    %max3A = arith.constant 0.000000e+00 : f32
    %max3A_26 = vector.broadcast %max3A : f32 to vector<2000x256xf32>
    %max3A_27 = arith.maximumf %add3A_25, %max3A_26 : vector<2000x256xf32>
    %get3A_28 = arith.constant 0 : index
    %get3A_29 = arith.constant 0 : index
    %get3A_30 = vector.load %arg7[%get3A_28, %get3A_29] : memref<256x48xf32, #tpu.memory_space<vmem>>, vector<256x48xf32>
    %dot_general3A_31 = arith.constant dense<0.000000e+00> : vector<2000x48xf32>
    %dot_general3A_32 = tpu.matmul %max3A_27, %get3A_30, %dot_general3A_31 {dimension_numbers = #tpu.dot_dimension_numbers<[1], [0], [0], [1], [0, 0, 1, 1], [], []>, transpose_lhs_hint = false} : vector<2000x256xf32>, vector<256x48xf32>, vector<2000x48xf32> -> vector<2000x48xf32>
    %mul3A_33 = vector.broadcast %get3A_1 : vector<2000x1xf32> to vector<2000x48xf32>
    %mul3A_34 = arith.mulf %mul3A_33, %dot_general3A_32 : vector<2000x48xf32>
    %swap3A = arith.constant 0 : index
    %swap3A_35 = arith.constant 0 : index
    %swap3A_36 = vector.load %arg8[%swap3A, %swap3A_35] : memref<2000x48xf32, #tpu.memory_space<vmem>>, vector<2000x48xf32>
    tpu.vector_store %arg8[%swap3A, %swap3A_35], %mul3A_34 {strides = array<i32>} : memref<2000x48xf32, #tpu.memory_space<vmem>>, vector<2000x48xf32>,
    return
  }
  func.func @transform_0(%arg0: i32) -> (i32, i32, i32) {
    %c0_i32 = arith.constant 0 : i32
    %c0_i32_0 = arith.constant 0 : i32
    %c0_i32_1 = arith.constant 0 : i32
    return %c0_i32, %arg0, %c0_i32_0 : i32, i32, i32
  }
  func.func @transform_1(%arg0: i32) -> (i32, i32, i32) {
    %c1_i32 = arith.constant 1 : i32
    %c0_i32 = arith.constant 0 : i32
    %c0_i32_0 = arith.constant 0 : i32
    return %c1_i32, %arg0, %c0_i32 : i32, i32, i32
  }
  func.func @transform_2(%arg0: i32) -> (i32, i32) {
    %c0_i32 = arith.constant 0 : i32
    %c0_i32_0 = arith.constant 0 : i32
    return %arg0, %c0_i32 : i32, i32
  }
  func.func @transform_3(%arg0: i32) -> (i32, i32) {
    %c0_i32 = arith.constant 0 : i32
    %c0_i32_0 = arith.constant 0 : i32
    return %arg0, %c0_i32 : i32, i32
  }
  func.func @transform_4(%arg0: i32) -> (i32, i32) {
    %c0_i32 = arith.constant 0 : i32
    %c0_i32_0 = arith.constant 0 : i32
    %c0_i32_1 = arith.constant 0 : i32
    return %c0_i32, %c0_i32_0 : i32, i32
  }
  func.func @transform_5(%arg0: i32) -> (i32, i32) {
    %c0_i32 = arith.constant 0 : i32
    %c0_i32_0 = arith.constant 0 : i32
    %c0_i32_1 = arith.constant 0 : i32
    return %c0_i32, %c0_i32_0 : i32, i32
  }
  func.func @transform_6(%arg0: i32) -> (i32, i32) {
    %c0_i32 = arith.constant 0 : i32
    %c0_i32_0 = arith.constant 0 : i32
    %c0_i32_1 = arith.constant 0 : i32
    return %c0_i32, %c0_i32_0 : i32, i32
  }
  func.func @transform_7(%arg0: i32) -> (i32, i32) {
    %c0_i32 = arith.constant 0 : i32
    %c0_i32_0 = arith.constant 0 : i32
    return %arg0, %c0_i32 : i32, i32
  }
}

module attributes {stable_mosaic.version = 14 : i64} {
  func.func @_tc_out_body(%arg0: i32, %arg1: memref<1x2000x48xf32, #tpu.memory_space<vmem>>, %arg2: memref<1x2000x48xf32, #tpu.memory_space<vmem>>, %arg3: memref<2000x48xf32, #tpu.memory_space<vmem>>, %arg4: memref<2000x8xf32, #tpu.memory_space<vmem>>, %arg5: memref<1x40xf32, #tpu.memory_space<vmem>>, %arg6: memref<2000x40xf32, #tpu.memory_space<vmem>>) attributes {dimension_semantics = [#tpu.dimension_semantics<arbitrary>], iteration_bounds = array<i64: 5>, scalar_prefetch = 0 : i64, scratch_operands = 0 : i64, tpu.core_type = #tpu.core_type<tc>, window_params = [{transform_indices = @transform_0, window_bounds = array<i64: 1, 2000, 48>}, {transform_indices = @transform_1, window_bounds = array<i64: 1, 2000, 48>}, {transform_indices = @transform_2, window_bounds = array<i64: 2000, 48>}, {transform_indices = @transform_3, window_bounds = array<i64: 2000, 8>}, {pipeline_mode = #tpu.pipeline_mode<synchronous>, transform_indices = @transform_4, window_bounds = array<i64: 1, 40>}, {transform_indices = @transform_5, window_bounds = array<i64: 2000, 40>}]} {
    %get3A = arith.constant 0 : index
    %get3A_0 = arith.constant 0 : index
    %get3A_1 = vector.load %arg4[%get3A, %get3A_0] : memref<2000x8xf32, #tpu.memory_space<vmem>>, vector<2000x1xf32>
    %get3A_2 = arith.constant 0 : index
    %get3A_3 = arith.constant 0 : index
    %get3A_4 = arith.constant 0 : index
    %get3A_5 = vector.load %arg1[%get3A_2, %get3A_3, %get3A_4] : memref<1x2000x48xf32, #tpu.memory_space<vmem>>, vector<1x2000x48xf32>
    %get3A_6 = vector.shape_cast %get3A_5 : vector<1x2000x48xf32> to vector<2000x48xf32>
    %get3A_7 = arith.constant 0 : index
    %get3A_8 = arith.constant 0 : index
    %get3A_9 = arith.constant 0 : index
    %get3A_10 = vector.load %arg2[%get3A_7, %get3A_8, %get3A_9] : memref<1x2000x48xf32, #tpu.memory_space<vmem>>, vector<1x2000x48xf32>
    %get3A_11 = vector.shape_cast %get3A_10 : vector<1x2000x48xf32> to vector<2000x48xf32>
    %add3A = arith.addf %get3A_6, %get3A_11 : vector<2000x48xf32>
    %get3A_12 = arith.constant 0 : index
    %get3A_13 = arith.constant 0 : index
    %get3A_14 = vector.load %arg3[%get3A_12, %get3A_13] : memref<2000x48xf32, #tpu.memory_space<vmem>>, vector<2000x48xf32>
    %add3A_15 = arith.addf %add3A, %get3A_14 : vector<2000x48xf32>
    %mul3A = vector.broadcast %get3A_1 : vector<2000x1xf32> to vector<2000x48xf32>
    %mul3A_16 = arith.mulf %mul3A, %add3A_15 : vector<2000x48xf32>
    %slice3A = vector.extract_strided_slice %mul3A_16 {offsets = [0, 0], sizes = [2000, 40], strides = [1, 1]} : vector<2000x48xf32> to vector<2000x40xf32>
    %get3A_17 = arith.constant 0 : index
    %get3A_18 = arith.constant 0 : index
    %get3A_19 = vector.load %arg5[%get3A_17, %get3A_18] : memref<1x40xf32, #tpu.memory_space<vmem>>, vector<1x40xf32>
    %add3A_20 = vector.broadcast %get3A_19 : vector<1x40xf32> to vector<2000x40xf32>
    %add3A_21 = arith.addf %slice3A, %add3A_20 : vector<2000x40xf32>
    %reduce_max3A = arith.constant dense<0xFF800000> : vector<2000xf32>
    %reduce_max3A_22 = vector.multi_reduction <maximumf>, %add3A_21, %reduce_max3A [1] : vector<2000x40xf32> to vector<2000xf32>
    %broadcast_in_dim3A = vector.shape_cast %reduce_max3A_22 : vector<2000xf32> to vector<2000x1xf32>
    %sub3A = vector.broadcast %broadcast_in_dim3A : vector<2000x1xf32> to vector<2000x40xf32>
    %sub3A_23 = arith.subf %add3A_21, %sub3A : vector<2000x40xf32>
    %exp3A = math.exp %sub3A_23 : vector<2000x40xf32>
    %reduce_sum3A = arith.constant dense<0.000000e+00> : vector<2000xf32>
    %reduce_sum3A_24 = vector.multi_reduction <add>, %exp3A, %reduce_sum3A [1] : vector<2000x40xf32> to vector<2000xf32>
    %broadcast_in_dim3A_25 = vector.shape_cast %reduce_sum3A_24 : vector<2000xf32> to vector<2000x1xf32>
    %log3A = math.log %broadcast_in_dim3A_25 : vector<2000x1xf32>
    %sub3A_26 = vector.broadcast %log3A : vector<2000x1xf32> to vector<2000x40xf32>
    %sub3A_27 = arith.subf %sub3A_23, %sub3A_26 : vector<2000x40xf32>
    %swap3A = arith.constant 0 : index
    %swap3A_28 = arith.constant 0 : index
    %swap3A_29 = vector.load %arg6[%swap3A, %swap3A_28] : memref<2000x40xf32, #tpu.memory_space<vmem>>, vector<2000x40xf32>
    tpu.vector_store %arg6[%swap3A, %swap3A_28], %sub3A_27 {strides = array<i32>} : memref<2000x40xf32, #tpu.memory_space<vmem>>, vector<2000x40xf32>,
    return
  }
  func.func @transform_0(%arg0: i32) -> (i32, i32, i32) {
    %c0_i32 = arith.constant 0 : i32
    %c0_i32_0 = arith.constant 0 : i32
    %c0_i32_1 = arith.constant 0 : i32
    return %c0_i32, %arg0, %c0_i32_0 : i32, i32, i32
  }
  func.func @transform_1(%arg0: i32) -> (i32, i32, i32) {
    %c1_i32 = arith.constant 1 : i32
    %c0_i32 = arith.constant 0 : i32
    %c0_i32_0 = arith.constant 0 : i32
    return %c1_i32, %arg0, %c0_i32 : i32, i32, i32
  }
  func.func @transform_2(%arg0: i32) -> (i32, i32) {
    %c0_i32 = arith.constant 0 : i32
    %c0_i32_0 = arith.constant 0 : i32
    return %arg0, %c0_i32 : i32, i32
  }
  func.func @transform_3(%arg0: i32) -> (i32, i32) {
    %c0_i32 = arith.constant 0 : i32
    %c0_i32_0 = arith.constant 0 : i32
    return %arg0, %c0_i32 : i32, i32
  }
  func.func @transform_4(%arg0: i32) -> (i32, i32) {
    %c0_i32 = arith.constant 0 : i32
    %c0_i32_0 = arith.constant 0 : i32
    %c0_i32_1 = arith.constant 0 : i32
    return %c0_i32, %c0_i32_0 : i32, i32
  }
  func.func @transform_5(%arg0: i32) -> (i32, i32) {
    %c0_i32 = arith.constant 0 : i32
    %c0_i32_0 = arith.constant 0 : i32
    return %arg0, %c0_i32 : i32, i32
  }
}

</mosaic_0001>

<sc_bundles>
// kernel: kernel.11.cloned.1.call-start
scs
__scs_entry_jumppad:
0x0: {  	(pc) =	sbr.rel $0x88, $3  }
0x1: {  	(tag) =	ssettag $0x0;
	lr =	simm.s32 $0x1  }
0x2: {  	[smem:$0x3F9B] =	sst lr;
	_ =	strace $0xD0000000  }
0x3: {  	_ = 	snop  }
0x4: {  	_ = 	snop  }
0x5: {  	_ = 	snop  }
0x6: {  	_ = 	snop  }
0x7: {  	_ = 	snop  }
__scs_overlays_trampoline_lowered:
0x8: {  	[smem:$0x3FAA] =	sst s0  }
0x9: {  	[smem:$0x3FAB] =	sst s1  }
0xa: {  	[smem:$0x3FAC] =	sst s2  }
0xb: {  	[smem:$0x3FAD] =	sst s3  }
0xc: {  	[smem:$0x3FAE] =	sst s4  }
0xd: {  	[smem:$0x3FAF] =	sst s5  }
0xe: {  	[smem:$0x3FB0] =	sst s6  }
0xf: {  	[smem:$0x3FB1] =	sst s7  }
0x10: {  	[smem:$0x3FB2] =	sst s8  }
0x11: {  	[smem:$0x3FB3] =	sst s9;
	s0 =	simm.s32 @!p0 $0x0  }
0x12: {  	s1 =	sld [smem:$0x3F99];
	s0 =	simm.s32 @p0 $0x1  }
0x13: {  	[smem:$0x3FB4] =	sst s0;
	s0 =	simm.s32 @!p1 $0x0  }
0x14: {  	s2 =	sld [smem:$0x3F98];
	s0 =	simm.s32 @p1 $0x1  }
0x15: {  	[smem:$0x3FB5] =	sst s0;
	s0 =	simm.s32 @!p2 $0x0  }
0x16: {  	s3 =	sld [smem:$0x3FDB];
	s0 =	simm.s32 @p2 $0x1  }
0x17: {  	s4 =	simm.s32 $0x1BF5;
	[smem:$0x3FB7] =	sst s0  }
0x18: {  	s0 =	sld [smem:$0x3F9A];
	_ =	swait.ge [sflag:s4], $0x0  }
0x19: {  	s7 =	sld [smem:$0x3F9B]  }
0x1a: {  	s8 =	sadd.s32 $0xFFFFE003, lr  }
0x1b: {  	s9 =	sadd.s32 $0xFFFFFEF7, lr;
	s5 =	simm.s32 $0xFFFFFFFF;
	p2 =	slt.u32 s8, $0xFFFFF086  }
0x1c: {  	p1 =	slt.u32 s9, $0xF7A;
	s5 =	simm.s32 @!p2 $0x0  }
0x1d: {  	s5 =	simm.s32 @p1 $0x1;
	p0 =	seq.s32 s7, s2  }
0x1e: {  	s7 =	smul.u32 @!p0 $0xF7A, s2;
	p2 =	seq.s32 @!p0 s5, $0x0  }
0x1f: {  	s9 =	smul.u32 $0xF7A, s1;
	s8 =	simm.s32 @!p0 $0x1BF5;
	p2 =	por !p2, p0  }
0x20: {  	[sflag:s8] =	ssyncset.s32 @!p0 $0xFFFFF086;
	s6 =	sadd.s32 @!p0 s3, s7;
	s7 =	simm.s32 @!p0 $0x108  }
0x21: {  	s3 =	sadd.s32 s3, s9;
	s6 =	sadd.s32 @!p0 $0x88, s6;
	s7 =	simm.s32 @p2 $0x1082  }
0x22: {  	[simem:s7], [sflag:s8] =	dma.local @!p0 [hbm:s6], $0xF7A  }
0x23: {  	s9 =	sor.u32 $0xD0000000, s2;
	s6 =	simm.s32 $0x108;
	_ =	swait.ge @!p0 [sflag:s8], $0x0  }
0x24: {  	s3 =	sadd.s32 $0x88, s3;
	s6 =	simm.s32 @!p1 $0x1082;
	[sflag:s4] =	ssyncset.s32 $0xFFFFF086  }
0x25: {  	[simem:s6], [sflag:s4] =	dma.local [hbm:s3], $0xF7A  }
0x26: {  	[smem:$0x3F9B] =	sst s1;
	(tag) =	ssettag s2;
	_ =	strace s9  }
0x27: {  	s1 =	sld [smem:$0x3FAB]  }
0x28: {  	s2 =	sld [smem:$0x3FAC]  }
0x29: {  	s4 =	sld [smem:$0x3FAE]  }
0x2a: {  	p0 =	seq.s32 s5, $0x0;
	s5 =	sld [smem:$0x3FAF]  }
0x2b: {  	s6 =	sld [smem:$0x3FB0]  }
0x2c: {  	s7 =	sld [smem:$0x3FB1]  }
0x2d: {  	s3 =	simm.s32 $0x108;
	s8 =	sld [smem:$0x3FB2]  }
0x2e: {  	s3 =	simm.s32 @!p0 $0x1082;
	s9 =	sld [smem:$0x3FB3]  }
0x2f: {  	lr =	sadd.s32 s0, s3;
	s0 =	sld [smem:$0x3FAA]  }
0x30: {  	s3 =	sld [smem:$0x3FAD]  }
0x31: {  	[smem:$0x3FB6] =	sst s10  }
0x32: {  	s10 =	sld [smem:$0x3FB4];
	_ =	sdelay $0x3  }
0x33: {  	p0 =	seq.s32 s10, $0x1;
	s10 =	sld [smem:$0x3FB6];
	_ =	sdelay $0x3  }
0x34: {  	[smem:$0x3FB6] =	sst s10  }
0x35: {  	s10 =	sld [smem:$0x3FB5];
	_ =	sdelay $0x3  }
0x36: {  	p1 =	seq.s32 s10, $0x1;
	s10 =	sld [smem:$0x3FB6];
	_ =	sdelay $0x3  }
0x37: {  	[smem:$0x3FB6] =	sst s10  }
0x38: {  	s10 =	sld [smem:$0x3FB7]  }
0x39: {  	_ = 	snop;
	(pc) =	sbr.ind lr, $3  }
0x3a: {  	_ = 	snop  }
0x3b: {  	_ = 	snop  }
0x3c: {  	p2 =	seq.s32 s10, $0x1;
	s10 =	sld [smem:$0x3FB6]  }
0x3d: {  	_ =	shalt  }
0x3e: {  	_ =	shalt  }
0x3f: {  	_ =	shalt  }
0x40: {  	_ =	shalt  }
0x41: {  	_ =	shalt  }
0x42: {  	_ =	shalt  }
0x43: {  	_ =	shalt  }
0x44: {  	_ =	shalt  }
0x45: {  	_ =	shalt  }
0x46: {  	_ =	shalt  }
0x47: {  	_ =	shalt  }
0x48: {  	_ =	shalt  }
0x49: {  	_ =	shalt  }
0x4a: {  	_ =	shalt  }
0x4b: {  	_ =	shalt  }
0x4c: {  	_ =	shalt  }
0x4d: {  	_ =	shalt  }
0x4e: {  	_ =	shalt  }
0x4f: {  	_ =	shalt  }
0x50: {  	_ =	shalt  }
0x51: {  	_ =	shalt  }
0x52: {  	_ =	shalt  }
0x53: {  	_ =	shalt  }
0x54: {  	_ =	shalt  }
0x55: {  	_ =	shalt  }
0x56: {  	_ =	shalt  }
0x57: {  	_ =	shalt  }
0x58: {  	_ =	shalt  }
0x59: {  	_ =	shalt  }
0x5a: {  	_ =	shalt  }
0x5b: {  	_ =	shalt  }
0x5c: {  	_ =	shalt  }
0x5d: {  	_ =	shalt  }
0x5e: {  	_ =	shalt  }
0x5f: {  	_ =	shalt  }
0x60: {  	_ =	shalt  }
0x61: {  	_ =	shalt  }
0x62: {  	_ =	shalt  }
0x63: {  	_ =	shalt  }
0x64: {  	_ =	shalt  }
0x65: {  	_ =	shalt  }
0x66: {  	_ =	shalt  }
0x67: {  	_ =	shalt  }
0x68: {  	_ =	shalt  }
0x69: {  	_ =	shalt  }
0x6a: {  	_ =	shalt  }
0x6b: {  	_ =	shalt  }
0x6c: {  	_ =	shalt  }
0x6d: {  	_ =	shalt  }
0x6e: {  	_ =	shalt  }
0x6f: {  	_ =	shalt  }
0x70: {  	_ =	shalt  }
0x71: {  	_ =	shalt  }
0x72: {  	_ =	shalt  }
0x73: {  	_ =	shalt  }
0x74: {  	_ =	shalt  }
0x75: {  	_ =	shalt  }
0x76: {  	_ =	shalt  }
0x77: {  	_ =	shalt  }
0x78: {  	_ =	shalt  }
0x79: {  	_ =	shalt  }
0x7a: {  	_ =	shalt  }
0x7b: {  	_ =	shalt  }
0x7c: {  	_ =	shalt  }
0x7d: {  	_ =	shalt  }
0x7e: {  	_ =	shalt  }
0x7f: {  	_ =	shalt  }
0x80: {  	_ =	shalt  }
0x81: {  	_ =	shalt  }
0x82: {  	_ =	shalt  }
0x83: {  	_ =	shalt  }
0x84: {  	_ =	shalt  }
0x85: {  	_ =	shalt  }
0x86: {  	_ =	shalt  }
0x87: {  	_ =	shalt  }
.Lfunc_end0:
.L_simem_size_0:
called_computation.1_lowered:
.L_overlay_start_0:
0x88: {  	s2 =	sld [smem:$0x3FD9]  }
0x89: {  	s3 =	sld [smem:$0x3FFE];
	_ =	sdelay $0x1  }
0x8a: {  	s1 =	srdreg.scid  }
0x8b: {  	s0 =	sand.u32 $0x1, s1  }
0x8c: {  	s16 =	sshll.u32 s0, $0xA;
	s2 =	sadd.s32 s3, s2  }
0x8d: {  	s2 =	sadd.s32 s2, s16  }
0x8e: {  	[smem:$0x3FC2] =	sst s2  }
0x8f: {  	_ = 	snop  }
0x90: {  	(tm) =	ssettm $0x1  }
0x91: {  	s17 =	sld [smem:$0x3FFB];
	_ =	sdelay $0x3  }
0x92: {  	_ =	strace s17  }
0x93: {  	s2 =	sld [smem:$0x3FFC];
	_ =	sdelay $0x3  }
0x94: {  	_ =	strace s2  }
0x95: {  	s2 =	sld [smem:$0x3FFD];
	_ =	sdelay $0x3  }
0x96: {  	_ =	strace s2  }
0x97: {  	_ =	strace $0x8FFFFFFF  }
0x98: {  	s18 =	sld [smem:$0x3FDB];
	_ =	sdelay $0x1  }
0x99: {  	s19 =	simm.s32 $_scs_section_size  }
0x9a: {  	s4 =	simm.s32 $_size__tile_overlayer_lowered;
	s5 =	simm.s32 $_tile_overlayer_lowered  }
0x9b: {  	s22 =	simm.s32 $0x1BFF;
	s21 =	sshll.u32 s5, $0x1;
	s2 =	sadd.s32 s19, s18  }
0x9c: {  	s6 =	simm.s32 $0x0;
	s20 =	sshll.u32 s4, $0x1;
	s4 =	sadd.s32 s21, s2  }
0x9d: {  	[timem:s6], [sflag:s22] =	dma.local [hbm:s4], s20  }
0x9e: {  	_ =	swait.ge [sflag:s22], s20  }
0x9f: {  	s3 =	ssub.s32 $0x0, s20;
	[sflag:s22] =	ssyncset.done $0x0  }
0xa0: {  	[sflag:s22] =	ssyncadd.s32 s3;
	_ =	sdelay $0x1  }
0xa1: {  	s23 =	simm.s32 $0x1B8B  }
0xa2: {  	_ =	swait.ge [sflag:s23], $0x1  }
0xa3: {  	[sflag:s23] =	ssyncset.done $0x0  }
0xa4: {  	s25 =	simm.s32 $0x1B8E;
	s24 =	sld [smem:$0x3FFE];
	[sflag:s23] =	ssyncadd.s32 $0xFFFFFFFF  }
0xa5: {  	s26 =	simm.s32 $execute0_lowered;
	[smem:$0x3FD2] =	sst s25  }
0xa6: {  	s4 =	sshll.u32 s26, $0x1;
	_ =	strace $0x80000049;
	[dreg:$0x1] =	wrdreg $0xFFFFFFFF  }
0xa7: {  	s28 =	simm.s32 $_size_execute0_lowered;
	s2 =	sadd.s32 s2, s4;
	[dreg:$0x0] =	wrdreg $0x0  }
0xa8: {  	s4 =	sshll.u32 s28, $0x1;
	[dreg:$0x2] =	wrdreg s2  }
0xa9: {  	[dreg:$0x3] =	wrdreg s4  }
0xaa: {  	[dreg:$0x4] =	wrdreg $0xC0  }
0xab: {  	_ =	task [dreg:s6], $0x5FFFF  }
0xac: {  	[dreg:$0x1] =	wrdreg $0xFFFFFFFF  }
0xad: {  	[dreg:$0x0] =	wrdreg $0x60  }
0xae: {  	[dreg:$0x2] =	wrdreg s24  }
0xaf: {  	[dreg:$0x3] =	wrdreg $0x70000  }
0xb0: {  	[dreg:$0x4] =	wrdreg $0x9  }
0xb1: {  	_ =	task.clear_ibuf [dreg:s6], $0x5FFFF;
	_ =	strace $0x90000049  }
0xb2: {  	s29 =	simm.s32 $0x9;
	_ =	strace $0x8000004B  }
0xb3: {  	_ =	swait.ge [sflag:s29], $0x1  }
0xb4: {  	[sflag:s29] =	ssyncadd.s32 $0xFFFFFFFF  }
0xb5: {  	_ =	strace $0x9000004B  }
0xb6: {  	_ =	sfence  }
0xb7: {  	s30 =	sld [smem:$0x0];
	_ =	sdelay $0x2  }
0xb8: {  	s31 =	sshll.u32 s1, $0xD;
	s1 =	sshrl.u32 s1, $0x2  }
0xb9: {  	s3 =	sand.u32 $0x4000, s31;
	s1 =	sadd.s32 s1, s30  }
0xba: {  	s0 =	sor.u32 s3, s0;
	s1 =	sshll.u32 s1, $0x11  }
0xbb: {  	s0 =	sor.u32 s1, s0  }
0xbc: {  	s0 =	sadd.s32 $0x8F2B, s0  }
0xbd: {  	[sflag:s0] =	ssyncadd.remote.s32 $0x1  }
0xbe: {  	_ =	sfence.sel $0xFFFF  }
0xbf: {  	[dreg:$0x0] =	wrdreg $0xFFFFFFFF;
	(pc) =	sbr.abs _section_cstart, $3  }
0xc0: {  	[dreg:$0x1] =	wrdreg $0xFFFFFFFF  }
0xc1: {  	_ =	task.clear_ibuf [dreg:s6], $0x2FFFF;
	_ =	strace $0x9FFFFFFF  }
0xc2: {  	(tm) =	ssettm $0x7FFFFFFF  }
0xc3: {  	_ =	shalt  }
tec
execute0_lowered:
.L_overlay_start_1:
0x0: {  	(tag) =	ssettag $0x1  }
0x1: {  	s8 =	rddreg [dreg:$0x0]  }
0x2: {  	s1 =	rddreg [dreg:$0x1];
	s2 =	srdreg.scid  }
0x3: {  	s0 =	rddreg [dreg:$0x2];
	s3 =	simm.s32 $0x0;
	s18 =	simm.s32 $0x1000  }
0x4: {  	s19 =	simm.s32 $0x50;
	s20 =	simm.s32 $0x2000;
	s21 =	simm.s32 $0x1  }
0x5: {  	s22 =	simm.s32 $0x4800;
	s23 =	simm.s32 $0x2;
	s24 =	simm.s32 $0x1C00  }
0x6: {  	s9 =	sand.u32 $0x1, s2;
	s2 =	stileid.u32;
	[smem:$0x7FF] =	sst s3  }
0x7: {  	s4 =	sadd.s32 $0x25600, s8;
	s5 =	sadd.s32 $0x11600, s8;
	s7 =	smul.u32 $0x140000, s9  }
0x8: {  	s6 =	sadd.s32 $0x39600, s8;
	s10 =	smul.u32 $0x14000, s2;
	_ =	strace $0x8000004A  }
0x9: {  	s11 =	ssub.s32 $0x2, s9;
	s12 =	smul.u32 $0x50000, s2;
	s28 =	sshll.u32 s9, $0x4  }
0xa: {  	s31 =	sshll.u32 s2, $0x6;
	s26 =	sshrl.u32 s11, $0x1;
	s30 =	sor.u32 s2, s28  }
0xb: {  	s7 =	sadd.s32 s10, s7;
	s11 =	ssub.s32 s11, s26;
	s29 =	sshrl.u32 s12, $0x2  }
0xc: {  	s9 =	smul.u32 $0x5000, s30;
	s10 =	sshrl.u32 s7, $0x3;
	s7 =	sadd.s32 $0xC200, s8  }
0xd: {  	s13 =	sadd.s32 s29, s1;
	s11 =	smax.u32 s11, $0x1;
	s10 =	sadd.s32 s10, s8  }
0xe: {  	s8 =	sor.u32 $0x1C03, s31;
	s14 =	sadd.s32 $0x4000, s13;
	s15 =	sadd.s32 $0x8000, s13  }
0xf: {  	s16 =	sadd.s32 $0xC000, s13;
	s17 =	sadd.s32 $0x10000, s13;
	s12 =	sshrl.u32 s13, $0x3  }
0x10: {  	s13 =	simm.s32 $0x3;
	s10 =	sadd.s32 $0x60800, s10;
	s14 =	sshrl.u32 s14, $0x3  }
0x11: {  	s15 =	sshrl.u32 s15, $0x3;
	s16 =	sshrl.u32 s16, $0x3;
	s17 =	sshrl.u32 s17, $0x3  }
.LBB2_1:
0x12: {  	[spmem:s12], [sflag:s8] =	dma.local [hbm:s7], $0x800  }
0x13: {  	_ =	swait.ge [sflag:s13], $0x800  }
0x14: {  	[sflag:s13] =	ssyncset.done $0x0  }
0x15: {  	[sflag:s13] =	ssyncadd.s32 $0xFFFFF800  }
0x16: {  	[spmem:s14], [sflag:s8] =	dma.local [hbm:s7], $0x800  }
0x17: {  	_ =	swait.ge [sflag:s13], $0x800  }
0x18: {  	[sflag:s13] =	ssyncset.done $0x0  }
0x19: {  	[sflag:s13] =	ssyncadd.s32 $0xFFFFF800  }
0x1a: {  	[spmem:s15], [sflag:s8] =	dma.local [hbm:s7], $0x800  }
0x1b: {  	_ =	swait.ge [sflag:s13], $0x800  }
0x1c: {  	[sflag:s13] =	ssyncset.done $0x0  }
0x1d: {  	[sflag:s13] =	ssyncadd.s32 $0xFFFFF800  }
0x1e: {  	[spmem:s16], [sflag:s8] =	dma.local [hbm:s7], $0x800  }
0x1f: {  	_ =	swait.ge [sflag:s13], $0x800  }
0x20: {  	[sflag:s13] =	ssyncset.done $0x0  }
0x21: {  	[sflag:s13] =	ssyncadd.s32 $0xFFFFF800  }
0x22: {  	[spmem:s17], [sflag:s8] =	dma.local [hbm:s7], $0x800  }
0x23: {  	_ =	swait.ge [sflag:s13], $0x800  }
0x24: {  	[sflag:s13] =	ssyncset.done $0x0  }
0x25: {  	[sflag:s13] =	ssyncadd.s32 $0xFFFFF800  }
0x26: {  	s25 =	simm.s32 $0x0;
	[bflag:$0x0] =	sbarrier.arrive $0xFFFF  }
.LBB2_2:
0x27: {  	s26 =	sshll.u32 s25, $0xC  }
0x28: {  	s26 =	sadd.s32 s9, s26  }
0x29: {  	s26 =	sshrl.u32 s26, $0x3  }
0x2a: {  	s29 =	simm.s32 $0x0;
	s28 =	sadd.s32 s4, s26  }
0x2b: {  	[tilespmem:s29], [sflag:$0x3] =	stream.linear.gather [hbm4b:s28+s29], $0xC80, $0x38;
	[tilespmem:$0x1B000] =	vst v63  }
0x2c: {  	_ =	swait.ge [sflag:s13], $0xC80  }
0x2d: {  	[sflag:s13] =	ssyncset.done $0x0  }
0x2e: {  	s26 =	sadd.s32 s5, s26;
	[sflag:s13] =	ssyncadd.s32 $0xFFFFF380  }
0x2f: {  	[tilespmem:s18], [sflag:$0x3] =	stream.linear.gather [hbm4b:s26+s29], $0xC80, $0x38;
	[tilespmem:$0x1B000] =	vst v63  }
0x30: {  	_ =	swait.ge [sflag:s13], $0xC80  }
0x31: {  	[sflag:s13] =	ssyncset.done $0x0  }
0x32: {  	[sflag:s13] =	ssyncadd.s32 $0xFFFFF380  }
0x33: {  	[tilespmem:s20], [sflag:$0x1] =	stream.indirect.gather [hbm4b:s6+s19], $0x80, s29, s19, $0xb8;
	[tilespmem:$0x1B000] =	vst v63  }
0x34: {  	_ =	swait.ge [sflag:s21], $0x2800  }
0x35: {  	[sflag:s21] =	ssyncset.done $0x0  }
0x36: {  	s28 =	simm.s32 $0x80;
	[sflag:s21] =	ssyncadd.s32 $0xFFFFD800  }
0x37: {  	[tilespmem:s22], [sflag:$0x2] =	stream.indirect.gather [hbm4b:s6+s19], $0x80, s28, s19, $0xb8;
	[tilespmem:$0x1B000] =	vst v63  }
0x38: {  	s29 =	simm.s32 $0x1000  }
0x39: {  	[spmem:s1] =	stream.indirect.scatter.add.f32 [tilespmem:s20], [sflag:$0x3], $0x80, s29, s19, $0xb8;
	[tilespmem:$0x1B000] =	vst v63  }
0x3a: {  	_ =	swait.ge [sflag:s13], $0x2800  }
0x3b: {  	[sflag:s13] =	ssyncset.done $0x0  }
0x3c: {  	[sflag:s13] =	ssyncadd.s32 $0xFFFFD800  }
0x3d: {  	_ =	swait.ge [sflag:s23], $0x2800  }
0x3e: {  	[sflag:s23] =	ssyncset.done $0x0  }
0x3f: {  	s30 =	simm.s32 $0x100;
	[sflag:s23] =	ssyncadd.s32 $0xFFFFD800  }
0x40: {  	[tilespmem:s20], [sflag:$0x1] =	stream.indirect.gather [hbm4b:s6+s19], $0x80, s30, s19, $0xb8;
	[tilespmem:$0x1B000] =	vst v63  }
0x41: {  	s31 =	simm.s32 $0x1080  }
0x42: {  	[spmem:s1] =	stream.indirect.scatter.add.f32 [tilespmem:s22], [sflag:$0x3], $0x80, s31, s19, $0xb8;
	[tilespmem:$0x1B000] =	vst v63  }
0x43: {  	_ =	swait.ge [sflag:s13], $0x2800  }
0x44: {  	s26 =	simm.s32 $0x400;
	[sflag:s13] =	ssyncset.done $0x0  }
.LBB2_3:
0x45: {  	p0 =	sne.s32 s26, $0x2C00  }
0x46: {  	[sflag:s13] =	ssyncadd.s32 $0xFFFFD800;
	s28 =	smov.u32 s26;
	s26 =	sadd.s32 $0x400, s26  }
0x47: {  	_ = 	snop  }
0x48: {  	_ =	swait.ge [sflag:s21], $0x2800  }
0x49: {  	s28 =	sshra.s32 s28, $0x2;
	[sflag:s21] =	ssyncset.done $0x0  }
0x4a: {  	s29 =	sadd.s32 $0x80, s28;
	[sflag:s21] =	ssyncadd.s32 $0xFFFFD800  }
0x4b: {  	[tilespmem:s22], [sflag:$0x2] =	stream.indirect.gather [hbm4b:s6+s19], $0x80, s29, s19, $0xb8;
	[tilespmem:$0x1B000] =	vst v63  }
0x4c: {  	s29 =	sadd.s32 $0x1000, s28  }
0x4d: {  	[spmem:s1] =	stream.indirect.scatter.add.f32 [tilespmem:s20], [sflag:$0x3], $0x80, s29, s19, $0xb8;
	[tilespmem:$0x1B000] =	vst v63  }
0x4e: {  	_ =	swait.ge [sflag:s13], $0x2800  }
0x4f: {  	[sflag:s13] =	ssyncset.done $0x0  }
0x50: {  	[sflag:s13] =	ssyncadd.s32 $0xFFFFD800  }
0x51: {  	_ =	swait.ge [sflag:s23], $0x2800  }
0x52: {  	[sflag:s23] =	ssyncset.done $0x0  }
0x53: {  	s29 =	sadd.s32 $0x100, s28;
	[sflag:s23] =	ssyncadd.s32 $0xFFFFD800  }
0x54: {  	[tilespmem:s20], [sflag:$0x1] =	stream.indirect.gather [hbm4b:s6+s19], $0x80, s29, s19, $0xb8;
	[tilespmem:$0x1B000] =	vst v63  }
.Ltmp0:
0x55: {  	_ = 	snop;
	(pc) =	sbr.rel @p0 .LBB2_3-.Ltmp0, $4  }
0x56: {  	s28 =	sadd.s32 $0x1080, s28  }
0x57: {  	[spmem:s1] =	stream.indirect.scatter.add.f32 [tilespmem:s22], [sflag:$0x3], $0x80, s28, s19, $0xb8;
	[tilespmem:$0x1B000] =	vst v63  }
0x58: {  	_ =	swait.ge [sflag:s13], $0x2800  }
0x59: {  	[sflag:s13] =	ssyncset.done $0x0  }
0x5a: {  	[sflag:s13] =	ssyncadd.s32 $0xFFFFD800  }
0x5b: {  	s25 =	sadd.s32 $0x1, s25;
	_ =	swait.ge [sflag:s21], $0x2800  }
0x5c: {  	p0 =	sne.s32 s25, $0x5;
	[sflag:s21] =	ssyncset.done $0x0  }
.Ltmp1:
0x5d: {  	[sflag:s21] =	ssyncadd.s32 $0xFFFFD800;
	(pc) =	sbr.rel @p0 .LBB2_2-.Ltmp1, $4  }
0x5e: {  	[spmem:s1] =	stream.indirect.scatter.add.f32 [tilespmem:s20], [sflag:$0x3], $0x80, s24, s19, $0xb8;
	[tilespmem:$0x1B000] =	vst v63  }
0x5f: {  	_ =	swait.ge [sflag:s13], $0x2800  }
0x60: {  	[sflag:s13] =	ssyncset.done $0x0  }
0x61: {  	[sflag:s13] =	ssyncadd.s32 $0xFFFFD800  }
0x62: {  	s3 =	sadd.s32 $0x1, s3  }
0x63: {  	p0 =	sne.s32 s3, s11  }
.Ltmp2:
0x64: {  	[bflag:$0x0] =	sbarrier.arrive $0xFFFF;
	(pc) =	sbr.rel @p0 .LBB2_1-.Ltmp2, $4  }
0x65: {  	[hbm:s10], [sflag:s8] =	dma.local [spmem:s12], $0x2800  }
0x66: {  	_ =	swait.ge [sflag:s13], $0x2800  }
0x67: {  	[sflag:s13] =	ssyncset.done $0x0  }
0x68: {  	[sflag:s13] =	ssyncadd.s32 $0xFFFFD800  }
0x69: {  	_ =	sfence.sel $0x180000  }
0x6a: {  	[bflag:$0x0] =	sbarrier.arrive $0xFFFF  }
0x6b: {  	p0 =	sne.s32 s2, $0x0;
	_ =	strace $0x9000004A  }
0x6c: {  	s0 =	sadd.s32 @!p0 $0x100000, s0;
	[bflag:$0x2] =	sbarrier.arrive $0xFFFF  }
0x6d: {  	[sflag:s0] =	ssyncadd.tile.s32 @!p0 $0x1;
	_ =	shalt  }
.Lfunc_end2:
_tile_overlayer_lowered:
.L_overlay_start_2:
0x6e: {  	(tag) =	ssettag $0x2  }
0x6f: {  	s0 =	rddreg [dreg:$0x0];
	s2 =	stileid.u32  }
0x70: {  	s1 =	rddreg [dreg:$0x1];
	p0 =	sne.s32 s2, $0x0  }
0x71: {  	s3 =	rddreg [dreg:$0x2];
	[bflag:$0x3] =	sbarrier.arrive $0xFFFF;
	s2 =	simm.s32 @!p0 $0x1C03  }
0x72: {  	[timem:s3], [sflag:s2] =	dma.local @!p0 [hbm:s0], s1  }
0x73: {  	s0 =	simm.s32 @!p0 $0x3  }
0x74: {  	_ =	swait.ge @!p0 [sflag:s0], s1  }
0x75: {  	s1 =	ssub.s32 @!p0 $0x0, s1;
	[sflag:s0] =	ssyncset.done @!p0 $0x0  }
0x76: {  	[sflag:s0] =	ssyncadd.s32 @!p0 s1  }
0x77: {  	[bflag:$0x3] =	sbarrier.arrive $0xFFFF  }
0x78: {  	_ =	shalt  }

// kernel: kernel.14.cloned.1.call-start
scs
__scs_entry_jumppad:
0x0: {  	(pc) =	sbr.rel $0x88, $3  }
0x1: {  	(tag) =	ssettag $0x0;
	lr =	simm.s32 $0x1  }
0x2: {  	[smem:$0x3F9B] =	sst lr;
	_ =	strace $0xD0000000  }
0x3: {  	_ = 	snop  }
0x4: {  	_ = 	snop  }
0x5: {  	_ = 	snop  }
0x6: {  	_ = 	snop  }
0x7: {  	_ = 	snop  }
__scs_overlays_trampoline_lowered:
0x8: {  	[smem:$0x3FAA] =	sst s0  }
0x9: {  	[smem:$0x3FAB] =	sst s1  }
0xa: {  	[smem:$0x3FAC] =	sst s2  }
0xb: {  	[smem:$0x3FAD] =	sst s3  }
0xc: {  	[smem:$0x3FAE] =	sst s4  }
0xd: {  	[smem:$0x3FAF] =	sst s5  }
0xe: {  	[smem:$0x3FB0] =	sst s6  }
0xf: {  	[smem:$0x3FB1] =	sst s7  }
0x10: {  	[smem:$0x3FB2] =	sst s8  }
0x11: {  	[smem:$0x3FB3] =	sst s9;
	s0 =	simm.s32 @!p0 $0x0  }
0x12: {  	s1 =	sld [smem:$0x3F99];
	s0 =	simm.s32 @p0 $0x1  }
0x13: {  	[smem:$0x3FB4] =	sst s0;
	s0 =	simm.s32 @!p1 $0x0  }
0x14: {  	s2 =	sld [smem:$0x3F98];
	s0 =	simm.s32 @p1 $0x1  }
0x15: {  	[smem:$0x3FB5] =	sst s0;
	s0 =	simm.s32 @!p2 $0x0  }
0x16: {  	s3 =	sld [smem:$0x3FDB];
	s0 =	simm.s32 @p2 $0x1  }
0x17: {  	s4 =	simm.s32 $0x1BF5;
	[smem:$0x3FB7] =	sst s0  }
0x18: {  	s0 =	sld [smem:$0x3F9A];
	_ =	swait.ge [sflag:s4], $0x0  }
0x19: {  	s7 =	sld [smem:$0x3F9B]  }
0x1a: {  	s8 =	sadd.s32 $0xFFFFE003, lr  }
0x1b: {  	s9 =	sadd.s32 $0xFFFFFEF7, lr;
	s5 =	simm.s32 $0xFFFFFFFF;
	p2 =	slt.u32 s8, $0xFFFFF086  }
0x1c: {  	p1 =	slt.u32 s9, $0xF7A;
	s5 =	simm.s32 @!p2 $0x0  }
0x1d: {  	s5 =	simm.s32 @p1 $0x1;
	p0 =	seq.s32 s7, s2  }
0x1e: {  	s7 =	smul.u32 @!p0 $0xF7A, s2;
	p2 =	seq.s32 @!p0 s5, $0x0  }
0x1f: {  	s9 =	smul.u32 $0xF7A, s1;
	s8 =	simm.s32 @!p0 $0x1BF5;
	p2 =	por !p2, p0  }
0x20: {  	[sflag:s8] =	ssyncset.s32 @!p0 $0xFFFFF086;
	s6 =	sadd.s32 @!p0 s3, s7;
	s7 =	simm.s32 @!p0 $0x108  }
0x21: {  	s3 =	sadd.s32 s3, s9;
	s6 =	sadd.s32 @!p0 $0x88, s6;
	s7 =	simm.s32 @p2 $0x1082  }
0x22: {  	[simem:s7], [sflag:s8] =	dma.local @!p0 [hbm:s6], $0xF7A  }
0x23: {  	s9 =	sor.u32 $0xD0000000, s2;
	s6 =	simm.s32 $0x108;
	_ =	swait.ge @!p0 [sflag:s8], $0x0  }
0x24: {  	s3 =	sadd.s32 $0x88, s3;
	s6 =	simm.s32 @!p1 $0x1082;
	[sflag:s4] =	ssyncset.s32 $0xFFFFF086  }
0x25: {  	[simem:s6], [sflag:s4] =	dma.local [hbm:s3], $0xF7A  }
0x26: {  	[smem:$0x3F9B] =	sst s1;
	(tag) =	ssettag s2;
	_ =	strace s9  }
0x27: {  	s1 =	sld [smem:$0x3FAB]  }
0x28: {  	s2 =	sld [smem:$0x3FAC]  }
0x29: {  	s4 =	sld [smem:$0x3FAE]  }
0x2a: {  	p0 =	seq.s32 s5, $0x0;
	s5 =	sld [smem:$0x3FAF]  }
0x2b: {  	s6 =	sld [smem:$0x3FB0]  }
0x2c: {  	s7 =	sld [smem:$0x3FB1]  }
0x2d: {  	s3 =	simm.s32 $0x108;
	s8 =	sld [smem:$0x3FB2]  }
0x2e: {  	s3 =	simm.s32 @!p0 $0x1082;
	s9 =	sld [smem:$0x3FB3]  }
0x2f: {  	lr =	sadd.s32 s0, s3;
	s0 =	sld [smem:$0x3FAA]  }
0x30: {  	s3 =	sld [smem:$0x3FAD]  }
0x31: {  	[smem:$0x3FB6] =	sst s10  }
0x32: {  	s10 =	sld [smem:$0x3FB4];
	_ =	sdelay $0x3  }
0x33: {  	p0 =	seq.s32 s10, $0x1;
	s10 =	sld [smem:$0x3FB6];
	_ =	sdelay $0x3  }
0x34: {  	[smem:$0x3FB6] =	sst s10  }
0x35: {  	s10 =	sld [smem:$0x3FB5];
	_ =	sdelay $0x3  }
0x36: {  	p1 =	seq.s32 s10, $0x1;
	s10 =	sld [smem:$0x3FB6];
	_ =	sdelay $0x3  }
0x37: {  	[smem:$0x3FB6] =	sst s10  }
0x38: {  	s10 =	sld [smem:$0x3FB7]  }
0x39: {  	_ = 	snop;
	(pc) =	sbr.ind lr, $3  }
0x3a: {  	_ = 	snop  }
0x3b: {  	_ = 	snop  }
0x3c: {  	p2 =	seq.s32 s10, $0x1;
	s10 =	sld [smem:$0x3FB6]  }
0x3d: {  	_ =	shalt  }
0x3e: {  	_ =	shalt  }
0x3f: {  	_ =	shalt  }
0x40: {  	_ =	shalt  }
0x41: {  	_ =	shalt  }
0x42: {  	_ =	shalt  }
0x43: {  	_ =	shalt  }
0x44: {  	_ =	shalt  }
0x45: {  	_ =	shalt  }
0x46: {  	_ =	shalt  }
0x47: {  	_ =	shalt  }
0x48: {  	_ =	shalt  }
0x49: {  	_ =	shalt  }
0x4a: {  	_ =	shalt  }
0x4b: {  	_ =	shalt  }
0x4c: {  	_ =	shalt  }
0x4d: {  	_ =	shalt  }
0x4e: {  	_ =	shalt  }
0x4f: {  	_ =	shalt  }
0x50: {  	_ =	shalt  }
0x51: {  	_ =	shalt  }
0x52: {  	_ =	shalt  }
0x53: {  	_ =	shalt  }
0x54: {  	_ =	shalt  }
0x55: {  	_ =	shalt  }
0x56: {  	_ =	shalt  }
0x57: {  	_ =	shalt  }
0x58: {  	_ =	shalt  }
0x59: {  	_ =	shalt  }
0x5a: {  	_ =	shalt  }
0x5b: {  	_ =	shalt  }
0x5c: {  	_ =	shalt  }
0x5d: {  	_ =	shalt  }
0x5e: {  	_ =	shalt  }
0x5f: {  	_ =	shalt  }
0x60: {  	_ =	shalt  }
0x61: {  	_ =	shalt  }
0x62: {  	_ =	shalt  }
0x63: {  	_ =	shalt  }
0x64: {  	_ =	shalt  }
0x65: {  	_ =	shalt  }
0x66: {  	_ =	shalt  }
0x67: {  	_ =	shalt  }
0x68: {  	_ =	shalt  }
0x69: {  	_ =	shalt  }
0x6a: {  	_ =	shalt  }
0x6b: {  	_ =	shalt  }
0x6c: {  	_ =	shalt  }
0x6d: {  	_ =	shalt  }
0x6e: {  	_ =	shalt  }
0x6f: {  	_ =	shalt  }
0x70: {  	_ =	shalt  }
0x71: {  	_ =	shalt  }
0x72: {  	_ =	shalt  }
0x73: {  	_ =	shalt  }
0x74: {  	_ =	shalt  }
0x75: {  	_ =	shalt  }
0x76: {  	_ =	shalt  }
0x77: {  	_ =	shalt  }
0x78: {  	_ =	shalt  }
0x79: {  	_ =	shalt  }
0x7a: {  	_ =	shalt  }
0x7b: {  	_ =	shalt  }
0x7c: {  	_ =	shalt  }
0x7d: {  	_ =	shalt  }
0x7e: {  	_ =	shalt  }
0x7f: {  	_ =	shalt  }
0x80: {  	_ =	shalt  }
0x81: {  	_ =	shalt  }
0x82: {  	_ =	shalt  }
0x83: {  	_ =	shalt  }
0x84: {  	_ =	shalt  }
0x85: {  	_ =	shalt  }
0x86: {  	_ =	shalt  }
0x87: {  	_ =	shalt  }
.Lfunc_end0:
.L_simem_size_0:
called_computation.2_lowered:
.L_overlay_start_0:
0x88: {  	s2 =	sld [smem:$0x3FD9]  }
0x89: {  	s3 =	sld [smem:$0x3FFE];
	_ =	sdelay $0x1  }
0x8a: {  	s1 =	srdreg.scid  }
0x8b: {  	s0 =	sand.u32 $0x1, s1  }
0x8c: {  	s17 =	sshll.u32 s0, $0xA;
	s2 =	sadd.s32 s3, s2  }
0x8d: {  	s2 =	sadd.s32 s2, s17  }
0x8e: {  	[smem:$0x3FC2] =	sst s2  }
0x8f: {  	_ = 	snop  }
0x90: {  	s2 =	sld [smem:$0x3FD0];
	(tm) =	ssettm $0x1  }
0x91: {  	s18 =	sld [smem:$0x3FFB];
	_ =	sdelay $0x3  }
0x92: {  	_ =	strace s18  }
0x93: {  	s3 =	sld [smem:$0x3FFC];
	_ =	sdelay $0x3  }
0x94: {  	_ =	strace s3  }
0x95: {  	s3 =	sld [smem:$0x3FFD];
	_ =	sdelay $0x3  }
0x96: {  	_ =	strace s3  }
0x97: {  	_ =	strace $0x8FFFFFFF  }
0x98: {  	s19 =	sld [smem:$0x3FDB];
	_ =	sdelay $0x1  }
0x99: {  	s4 =	simm.s32 $_scs_section_size  }
0x9a: {  	s5 =	simm.s32 $_size__tile_overlayer_lowered;
	s6 =	simm.s32 $_tile_overlayer_lowered  }
0x9b: {  	s22 =	simm.s32 $0x1BFF;
	s21 =	sshll.u32 s6, $0x1;
	s3 =	sadd.s32 s4, s19  }
0x9c: {  	s7 =	simm.s32 $0x0;
	s20 =	sshll.u32 s5, $0x1;
	s5 =	sadd.s32 s21, s3  }
0x9d: {  	[timem:s7], [sflag:s22] =	dma.local [hbm:s5], s20  }
0x9e: {  	_ =	swait.ge [sflag:s22], s20  }
0x9f: {  	s4 =	ssub.s32 $0x0, s20;
	[sflag:s22] =	ssyncset.done $0x0  }
0xa0: {  	[sflag:s22] =	ssyncadd.s32 s4;
	_ =	sdelay $0x1  }
0xa1: {  	s23 =	simm.s32 $0x1B8B  }
0xa2: {  	_ =	swait.ge [sflag:s23], $0x1  }
0xa3: {  	[sflag:s23] =	ssyncset.done $0x0  }
0xa4: {  	s25 =	simm.s32 $0x1B8E;
	s24 =	sld [smem:$0x3FFE];
	[sflag:s23] =	ssyncadd.s32 $0xFFFFFFFF  }
0xa5: {  	s26 =	simm.s32 $execute0_lowered;
	[smem:$0x3FD2] =	sst s25  }
0xa6: {  	s5 =	sshll.u32 s26, $0x1;
	_ =	strace $0x8000004C;
	[dreg:$0x1] =	wrdreg $0xFFFFFFFF  }
0xa7: {  	s28 =	simm.s32 $_size_execute0_lowered;
	s3 =	sadd.s32 s3, s5;
	[dreg:$0x0] =	wrdreg $0x0  }
0xa8: {  	s5 =	sshll.u32 s28, $0x1;
	[dreg:$0x2] =	wrdreg s3  }
0xa9: {  	[dreg:$0x3] =	wrdreg s5  }
0xaa: {  	[dreg:$0x4] =	wrdreg $0xC0  }
0xab: {  	_ =	task [dreg:s7], $0x5FFFF  }
0xac: {  	[dreg:$0x1] =	wrdreg $0xFFFFFFFF  }
0xad: {  	[dreg:$0x0] =	wrdreg $0x60  }
0xae: {  	[dreg:$0x2] =	wrdreg s24  }
0xaf: {  	[dreg:$0x3] =	wrdreg s2  }
0xb0: {  	[dreg:$0x4] =	wrdreg $0x2DA00  }
0xb1: {  	[dreg:$0x5] =	wrdreg $0x9  }
0xb2: {  	_ =	task.clear_ibuf [dreg:s7], $0x6FFFF;
	_ =	strace $0x9000004C  }
0xb3: {  	s29 =	simm.s32 $0x9;
	_ =	strace $0x8000004E  }
0xb4: {  	_ =	swait.ge [sflag:s29], $0x1  }
0xb5: {  	[sflag:s29] =	ssyncadd.s32 $0xFFFFFFFF  }
0xb6: {  	_ =	strace $0x9000004E  }
0xb7: {  	_ =	sfence  }
0xb8: {  	s30 =	sld [smem:$0x0];
	_ =	sdelay $0x2  }
0xb9: {  	s31 =	sshll.u32 s1, $0xD;
	s1 =	sshrl.u32 s1, $0x2  }
0xba: {  	s3 =	sand.u32 $0x4000, s31;
	s1 =	sadd.s32 s1, s30  }
0xbb: {  	s0 =	sor.u32 s3, s0;
	s1 =	sshll.u32 s1, $0x11  }
0xbc: {  	s0 =	sor.u32 s1, s0  }
0xbd: {  	s0 =	sadd.s32 $0x8F2B, s0  }
0xbe: {  	[sflag:s0] =	ssyncadd.remote.s32 $0x1  }
0xbf: {  	_ =	sfence.sel $0xFFFF  }
0xc0: {  	[dreg:$0x0] =	wrdreg $0xFFFFFFFF;
	(pc) =	sbr.abs _section_cstart, $3  }
0xc1: {  	[dreg:$0x1] =	wrdreg $0xFFFFFFFF  }
0xc2: {  	_ =	task.clear_ibuf [dreg:s7], $0x2FFFF;
	_ =	strace $0x9FFFFFFF  }
0xc3: {  	(tm) =	ssettm $0x7FFFFFFF  }
tec
execute0_lowered:
.L_overlay_start_1:
0x0: {  	(tag) =	ssettag $0x1  }
0x1: {  	s8 =	rddreg [dreg:$0x0]  }
0x2: {  	s2 =	rddreg [dreg:$0x1];
	s0 =	srdreg.scid  }
0x3: {  	s3 =	rddreg [dreg:$0x2];
	s1 =	stileid.u32  }
0x4: {  	s4 =	simm.s32 $0x0;
	s18 =	simm.s32 $0x7D0;
	s19 =	simm.s32 $0x50  }
0x5: {  	s20 =	simm.s32 $0xFA0;
	s21 =	simm.s32 $0x1;
	s22 =	simm.s32 $0x1EA0  }
0x6: {  	s23 =	simm.s32 $0x2;
	s9 =	sand.u32 $0x1, s0;
	s0 =	rddreg [dreg:$0x3]  }
0x7: {  	s24 =	simm.s32 $0xF50;
	s11 =	smul.u32 $0x7800, s1;
	[smem:$0x7FF] =	sst s4  }
0x8: {  	s5 =	sadd.s32 $0x2400, s8;
	s13 =	sshll.u32 s1, $0x6;
	s14 =	smul.u32 $0x1E000, s1  }
0x9: {  	s6 =	smul.u32 $0x78000, s9;
	s12 =	ssub.s32 $0x2, s9;
	s9 =	sshll.u32 s9, $0x4  }
0xa: {  	_ =	strace $0x8000004D;
	s28 =	sshrl.u32 s12, $0x1;
	s9 =	sor.u32 s1, s9  }
0xb: {  	s29 =	sshrl.u32 s14, $0x2;
	s25 =	sadd.s32 s11, s3;
	s7 =	sadd.s32 s11, s6  }
0xc: {  	s6 =	sadd.s32 $0xC200, s8;
	s12 =	ssub.s32 s12, s28;
	s9 =	smul.u32 $0x2710, s9  }
0xd: {  	s30 =	sadd.s32 s29, s3;
	s25 =	sshrl.u32 s25, $0x3;
	s10 =	sshrl.u32 s7, $0x3  }
0xe: {  	s7 =	sadd.s32 $0x1AE00, s8;
	s11 =	smax.u32 s12, $0x1;
	s31 =	sadd.s32 $0x1800, s30  }
0xf: {  	s15 =	sadd.s32 $0x3000, s30;
	s16 =	sadd.s32 $0x4800, s30;
	s17 =	sadd.s32 $0x6000, s30  }
0x10: {  	s12 =	sshrl.u32 s30, $0x3;
	s10 =	sadd.s32 s10, s8;
	s8 =	sor.u32 $0x1C03, s13  }
0x11: {  	s13 =	simm.s32 $0x3;
	s14 =	sshrl.u32 s31, $0x3;
	s15 =	sshrl.u32 s15, $0x3  }
0x12: {  	s16 =	sshrl.u32 s16, $0x3;
	s17 =	sshrl.u32 s17, $0x3;
	s10 =	sadd.s32 $0x1B200, s10  }
.LBB2_1:
0x13: {  	[spmem:s12], [sflag:s8] =	dma.local [hbm:s7], $0x300  }
0x14: {  	_ =	swait.ge [sflag:s13], $0x300  }
0x15: {  	[sflag:s13] =	ssyncset.done $0x0  }
0x16: {  	[sflag:s13] =	ssyncadd.s32 $0xFFFFFD00  }
0x17: {  	[spmem:s14], [sflag:s8] =	dma.local [hbm:s7], $0x300  }
0x18: {  	_ =	swait.ge [sflag:s13], $0x300  }
0x19: {  	[sflag:s13] =	ssyncset.done $0x0  }
0x1a: {  	[sflag:s13] =	ssyncadd.s32 $0xFFFFFD00  }
0x1b: {  	[spmem:s15], [sflag:s8] =	dma.local [hbm:s7], $0x300  }
0x1c: {  	_ =	swait.ge [sflag:s13], $0x300  }
0x1d: {  	[sflag:s13] =	ssyncset.done $0x0  }
0x1e: {  	[sflag:s13] =	ssyncadd.s32 $0xFFFFFD00  }
0x1f: {  	[spmem:s16], [sflag:s8] =	dma.local [hbm:s7], $0x300  }
0x20: {  	_ =	swait.ge [sflag:s13], $0x300  }
0x21: {  	[sflag:s13] =	ssyncset.done $0x0  }
0x22: {  	[sflag:s13] =	ssyncadd.s32 $0xFFFFFD00  }
0x23: {  	[spmem:s17], [sflag:s8] =	dma.local [hbm:s7], $0x300  }
0x24: {  	_ =	swait.ge [sflag:s13], $0x300  }
0x25: {  	[sflag:s13] =	ssyncset.done $0x0  }
0x26: {  	[sflag:s13] =	ssyncadd.s32 $0xFFFFFD00  }
0x27: {  	s26 =	simm.s32 $0x0;
	[bflag:$0x0] =	sbarrier.arrive $0xFFFF  }
.LBB2_2:
0x28: {  	s28 =	smul.u32 $0x7D0, s26;
	_ =	sdelay $0x1  }
0x29: {  	s28 =	sadd.s32 s9, s28  }
0x2a: {  	s28 =	sshrl.u32 s28, $0x3  }
0x2b: {  	s30 =	simm.s32 $0x0;
	s29 =	sadd.s32 s5, s28  }
0x2c: {  	[tilespmem:s30], [sflag:$0x3] =	stream.linear.gather [hbm4b:s29+s30], $0x7D0, $0x38;
	[tilespmem:$0xA5A0] =	vst v63  }
0x2d: {  	_ =	swait.ge [sflag:s13], $0x7D0  }
0x2e: {  	[sflag:s13] =	ssyncset.done $0x0  }
0x2f: {  	s28 =	sadd.s32 s2, s28;
	[sflag:s13] =	ssyncadd.s32 $0xFFFFF830  }
0x30: {  	[tilespmem:s18], [sflag:$0x3] =	stream.linear.gather [hbm4b:s28+s30], $0x7D0, $0x38;
	[tilespmem:$0xA5A0] =	vst v63  }
0x31: {  	_ =	swait.ge [sflag:s13], $0x7D0  }
0x32: {  	[sflag:s13] =	ssyncset.done $0x0  }
0x33: {  	[sflag:s13] =	ssyncadd.s32 $0xFFFFF830  }
0x34: {  	[tilespmem:s20], [sflag:$0x1] =	stream.indirect.gather [hbm4b:s6+s19], $0x30, s30, s19, $0xb8;
	[tilespmem:$0xA5A0] =	vst v63  }
0x35: {  	_ =	swait.ge [sflag:s21], $0xF00  }
0x36: {  	[sflag:s21] =	ssyncset.done $0x0  }
0x37: {  	s28 =	simm.s32 $0x50;
	[sflag:s21] =	ssyncadd.s32 $0xFFFFF100  }
0x38: {  	[tilespmem:s22], [sflag:$0x2] =	stream.indirect.gather [hbm4b:s6+s19], $0x30, s28, s19, $0xb8;
	[tilespmem:$0xA5A0] =	vst v63  }
0x39: {  	s28 =	simm.s32 $0x7D0  }
0x3a: {  	[spmem:s3] =	stream.indirect.scatter.add.f32 [tilespmem:s20], [sflag:$0x3], $0x30, s28, s19, $0xb8;
	[tilespmem:$0xA5A0] =	vst v63  }
0x3b: {  	_ =	swait.ge [sflag:s13], $0xF00  }
0x3c: {  	[sflag:s13] =	ssyncset.done $0x0  }
0x3d: {  	[sflag:s13] =	ssyncadd.s32 $0xFFFFF100  }
0x3e: {  	_ =	swait.ge [sflag:s23], $0xF00  }
0x3f: {  	[sflag:s23] =	ssyncset.done $0x0  }
0x40: {  	s28 =	simm.s32 $0xA0;
	[sflag:s23] =	ssyncadd.s32 $0xFFFFF100  }
0x41: {  	[tilespmem:s20], [sflag:$0x1] =	stream.indirect.gather [hbm4b:s6+s19], $0x30, s28, s19, $0xb8;
	[tilespmem:$0xA5A0] =	vst v63  }
0x42: {  	s28 =	simm.s32 $0x820  }
0x43: {  	[spmem:s3] =	stream.indirect.scatter.add.f32 [tilespmem:s22], [sflag:$0x3], $0x30, s28, s19, $0xb8;
	[tilespmem:$0xA5A0] =	vst v63  }
0x44: {  	_ =	swait.ge [sflag:s13], $0xF00  }
0x45: {  	s28 =	simm.s32 $0x280;
	[sflag:s13] =	ssyncset.done $0x0  }
.LBB2_3:
0x46: {  	p0 =	sne.s32 s28, $0x1B80  }
0x47: {  	[sflag:s13] =	ssyncadd.s32 $0xFFFFF100;
	s29 =	smov.u32 s28;
	s28 =	sadd.s32 $0x280, s28  }
0x48: {  	_ = 	snop  }
0x49: {  	_ =	swait.ge [sflag:s21], $0xF00  }
0x4a: {  	s29 =	sshra.s32 s29, $0x2;
	[sflag:s21] =	ssyncset.done $0x0  }
0x4b: {  	s30 =	sadd.s32 $0x50, s29;
	[sflag:s21] =	ssyncadd.s32 $0xFFFFF100  }
0x4c: {  	[tilespmem:s22], [sflag:$0x2] =	stream.indirect.gather [hbm4b:s6+s19], $0x30, s30, s19, $0xb8;
	[tilespmem:$0xA5A0] =	vst v63  }
0x4d: {  	s30 =	sadd.s32 $0x7D0, s29  }
0x4e: {  	[spmem:s3] =	stream.indirect.scatter.add.f32 [tilespmem:s20], [sflag:$0x3], $0x30, s30, s19, $0xb8;
	[tilespmem:$0xA5A0] =	vst v63  }
0x4f: {  	_ =	swait.ge [sflag:s13], $0xF00  }
0x50: {  	[sflag:s13] =	ssyncset.done $0x0  }
0x51: {  	[sflag:s13] =	ssyncadd.s32 $0xFFFFF100  }
0x52: {  	_ =	swait.ge [sflag:s23], $0xF00  }
0x53: {  	[sflag:s23] =	ssyncset.done $0x0  }
0x54: {  	s30 =	sadd.s32 $0xA0, s29;
	[sflag:s23] =	ssyncadd.s32 $0xFFFFF100  }
0x55: {  	[tilespmem:s20], [sflag:$0x1] =	stream.indirect.gather [hbm4b:s6+s19], $0x30, s30, s19, $0xb8;
	[tilespmem:$0xA5A0] =	vst v63  }
.Ltmp0:
0x56: {  	_ = 	snop;
	(pc) =	sbr.rel @p0 .LBB2_3-.Ltmp0, $4  }
0x57: {  	s29 =	sadd.s32 $0x820, s29  }
0x58: {  	[spmem:s3] =	stream.indirect.scatter.add.f32 [tilespmem:s22], [sflag:$0x3], $0x30, s29, s19, $0xb8;
	[tilespmem:$0xA5A0] =	vst v63  }
0x59: {  	_ =	swait.ge [sflag:s13], $0xF00  }
0x5a: {  	[sflag:s13] =	ssyncset.done $0x0  }
0x5b: {  	[sflag:s13] =	ssyncadd.s32 $0xFFFFF100  }
0x5c: {  	s26 =	sadd.s32 $0x1, s26;
	_ =	swait.ge [sflag:s21], $0xF00  }
0x5d: {  	p0 =	sne.s32 s26, $0x5;
	[sflag:s21] =	ssyncset.done $0x0  }
.Ltmp1:
0x5e: {  	[sflag:s21] =	ssyncadd.s32 $0xFFFFF100;
	(pc) =	sbr.rel @p0 .LBB2_2-.Ltmp1, $4  }
0x5f: {  	[spmem:s3] =	stream.indirect.scatter.add.f32 [tilespmem:s20], [sflag:$0x3], $0x30, s24, s19, $0xb8;
	[tilespmem:$0xA5A0] =	vst v63  }
0x60: {  	_ =	swait.ge [sflag:s13], $0xF00  }
0x61: {  	[sflag:s13] =	ssyncset.done $0x0  }
0x62: {  	[sflag:s13] =	ssyncadd.s32 $0xFFFFF100  }
0x63: {  	s4 =	sadd.s32 $0x1, s4  }
0x64: {  	p0 =	sne.s32 s4, s11  }
.Ltmp2:
0x65: {  	[bflag:$0x0] =	sbarrier.arrive $0xFFFF;
	(pc) =	sbr.rel @p0 .LBB2_1-.Ltmp2, $4  }
0x66: {  	[hbm:s10], [sflag:s8] =	dma.local [spmem:s25], $0xF00  }
0x67: {  	_ =	swait.ge [sflag:s13], $0xF00  }
0x68: {  	[sflag:s13] =	ssyncset.done $0x0  }
0x69: {  	[sflag:s13] =	ssyncadd.s32 $0xFFFFF100  }
0x6a: {  	_ =	sfence.sel $0x180000  }
0x6b: {  	[bflag:$0x0] =	sbarrier.arrive $0xFFFF  }
0x6c: {  	p0 =	sne.s32 s1, $0x0;
	_ =	strace $0x9000004D  }
0x6d: {  	s0 =	sadd.s32 @!p0 $0x100000, s0;
	[bflag:$0x2] =	sbarrier.arrive $0xFFFF  }
0x6e: {  	[sflag:s0] =	ssyncadd.tile.s32 @!p0 $0x1;
	_ =	shalt  }
.Lfunc_end2:
_tile_overlayer_lowered:
.L_overlay_start_2:
0x6f: {  	(tag) =	ssettag $0x2  }
0x70: {  	s0 =	rddreg [dreg:$0x0];
	s2 =	stileid.u32  }
0x71: {  	s1 =	rddreg [dreg:$0x1];
	p0 =	sne.s32 s2, $0x0  }
0x72: {  	s3 =	rddreg [dreg:$0x2];
	[bflag:$0x3] =	sbarrier.arrive $0xFFFF;
	s2 =	simm.s32 @!p0 $0x1C03  }
0x73: {  	[timem:s3], [sflag:s2] =	dma.local @!p0 [hbm:s0], s1  }
0x74: {  	s0 =	simm.s32 @!p0 $0x3  }
0x75: {  	_ =	swait.ge @!p0 [sflag:s0], s1  }
0x76: {  	s1 =	ssub.s32 @!p0 $0x0, s1;
	[sflag:s0] =	ssyncset.done @!p0 $0x0  }
0x77: {  	[sflag:s0] =	ssyncadd.s32 @!p0 s1  }
0x78: {  	[bflag:$0x3] =	sbarrier.arrive $0xFFFF  }
0x79: {  	_ =	shalt  }

// kernel: kernel.8.cloned.1.call-start
scs
__scs_entry_jumppad:
0x0: {  	(pc) =	sbr.rel $0x88, $3  }
0x1: {  	(tag) =	ssettag $0x0;
	lr =	simm.s32 $0x1  }
0x2: {  	[smem:$0x3F9B] =	sst lr;
	_ =	strace $0xD0000000  }
0x3: {  	_ = 	snop  }
0x4: {  	_ = 	snop  }
0x5: {  	_ = 	snop  }
0x6: {  	_ = 	snop  }
0x7: {  	_ = 	snop  }
__scs_overlays_trampoline_lowered:
0x8: {  	[smem:$0x3FAA] =	sst s0  }
0x9: {  	[smem:$0x3FAB] =	sst s1  }
0xa: {  	[smem:$0x3FAC] =	sst s2  }
0xb: {  	[smem:$0x3FAD] =	sst s3  }
0xc: {  	[smem:$0x3FAE] =	sst s4  }
0xd: {  	[smem:$0x3FAF] =	sst s5  }
0xe: {  	[smem:$0x3FB0] =	sst s6  }
0xf: {  	[smem:$0x3FB1] =	sst s7  }
0x10: {  	[smem:$0x3FB2] =	sst s8  }
0x11: {  	[smem:$0x3FB3] =	sst s9;
	s0 =	simm.s32 @!p0 $0x0  }
0x12: {  	s1 =	sld [smem:$0x3F99];
	s0 =	simm.s32 @p0 $0x1  }
0x13: {  	[smem:$0x3FB4] =	sst s0;
	s0 =	simm.s32 @!p1 $0x0  }
0x14: {  	s2 =	sld [smem:$0x3F98];
	s0 =	simm.s32 @p1 $0x1  }
0x15: {  	[smem:$0x3FB5] =	sst s0;
	s0 =	simm.s32 @!p2 $0x0  }
0x16: {  	s3 =	sld [smem:$0x3FDB];
	s0 =	simm.s32 @p2 $0x1  }
0x17: {  	s4 =	simm.s32 $0x1BF5;
	[smem:$0x3FB7] =	sst s0  }
0x18: {  	s0 =	sld [smem:$0x3F9A];
	_ =	swait.ge [sflag:s4], $0x0  }
0x19: {  	s7 =	sld [smem:$0x3F9B]  }
0x1a: {  	s8 =	sadd.s32 $0xFFFFE003, lr  }
0x1b: {  	s9 =	sadd.s32 $0xFFFFFEF7, lr;
	s5 =	simm.s32 $0xFFFFFFFF;
	p2 =	slt.u32 s8, $0xFFFFF086  }
0x1c: {  	p1 =	slt.u32 s9, $0xF7A;
	s5 =	simm.s32 @!p2 $0x0  }
0x1d: {  	s5 =	simm.s32 @p1 $0x1;
	p0 =	seq.s32 s7, s2  }
0x1e: {  	s7 =	smul.u32 @!p0 $0xF7A, s2;
	p2 =	seq.s32 @!p0 s5, $0x0  }
0x1f: {  	s9 =	smul.u32 $0xF7A, s1;
	s8 =	simm.s32 @!p0 $0x1BF5;
	p2 =	por !p2, p0  }
0x20: {  	[sflag:s8] =	ssyncset.s32 @!p0 $0xFFFFF086;
	s6 =	sadd.s32 @!p0 s3, s7;
	s7 =	simm.s32 @!p0 $0x108  }
0x21: {  	s3 =	sadd.s32 s3, s9;
	s6 =	sadd.s32 @!p0 $0x88, s6;
	s7 =	simm.s32 @p2 $0x1082  }
0x22: {  	[simem:s7], [sflag:s8] =	dma.local @!p0 [hbm:s6], $0xF7A  }
0x23: {  	s9 =	sor.u32 $0xD0000000, s2;
	s6 =	simm.s32 $0x108;
	_ =	swait.ge @!p0 [sflag:s8], $0x0  }
0x24: {  	s3 =	sadd.s32 $0x88, s3;
	s6 =	simm.s32 @!p1 $0x1082;
	[sflag:s4] =	ssyncset.s32 $0xFFFFF086  }
0x25: {  	[simem:s6], [sflag:s4] =	dma.local [hbm:s3], $0xF7A  }
0x26: {  	[smem:$0x3F9B] =	sst s1;
	(tag) =	ssettag s2;
	_ =	strace s9  }
0x27: {  	s1 =	sld [smem:$0x3FAB]  }
0x28: {  	s2 =	sld [smem:$0x3FAC]  }
0x29: {  	s4 =	sld [smem:$0x3FAE]  }
0x2a: {  	p0 =	seq.s32 s5, $0x0;
	s5 =	sld [smem:$0x3FAF]  }
0x2b: {  	s6 =	sld [smem:$0x3FB0]  }
0x2c: {  	s7 =	sld [smem:$0x3FB1]  }
0x2d: {  	s3 =	simm.s32 $0x108;
	s8 =	sld [smem:$0x3FB2]  }
0x2e: {  	s3 =	simm.s32 @!p0 $0x1082;
	s9 =	sld [smem:$0x3FB3]  }
0x2f: {  	lr =	sadd.s32 s0, s3;
	s0 =	sld [smem:$0x3FAA]  }
0x30: {  	s3 =	sld [smem:$0x3FAD]  }
0x31: {  	[smem:$0x3FB6] =	sst s10  }
0x32: {  	s10 =	sld [smem:$0x3FB4];
	_ =	sdelay $0x3  }
0x33: {  	p0 =	seq.s32 s10, $0x1;
	s10 =	sld [smem:$0x3FB6];
	_ =	sdelay $0x3  }
0x34: {  	[smem:$0x3FB6] =	sst s10  }
0x35: {  	s10 =	sld [smem:$0x3FB5];
	_ =	sdelay $0x3  }
0x36: {  	p1 =	seq.s32 s10, $0x1;
	s10 =	sld [smem:$0x3FB6];
	_ =	sdelay $0x3  }
0x37: {  	[smem:$0x3FB6] =	sst s10  }
0x38: {  	s10 =	sld [smem:$0x3FB7]  }
0x39: {  	_ = 	snop;
	(pc) =	sbr.ind lr, $3  }
0x3a: {  	_ = 	snop  }
0x3b: {  	_ = 	snop  }
0x3c: {  	p2 =	seq.s32 s10, $0x1;
	s10 =	sld [smem:$0x3FB6]  }
0x3d: {  	_ =	shalt  }
0x3e: {  	_ =	shalt  }
0x3f: {  	_ =	shalt  }
0x40: {  	_ =	shalt  }
0x41: {  	_ =	shalt  }
0x42: {  	_ =	shalt  }
0x43: {  	_ =	shalt  }
0x44: {  	_ =	shalt  }
0x45: {  	_ =	shalt  }
0x46: {  	_ =	shalt  }
0x47: {  	_ =	shalt  }
0x48: {  	_ =	shalt  }
0x49: {  	_ =	shalt  }
0x4a: {  	_ =	shalt  }
0x4b: {  	_ =	shalt  }
0x4c: {  	_ =	shalt  }
0x4d: {  	_ =	shalt  }
0x4e: {  	_ =	shalt  }
0x4f: {  	_ =	shalt  }
0x50: {  	_ =	shalt  }
0x51: {  	_ =	shalt  }
0x52: {  	_ =	shalt  }
0x53: {  	_ =	shalt  }
0x54: {  	_ =	shalt  }
0x55: {  	_ =	shalt  }
0x56: {  	_ =	shalt  }
0x57: {  	_ =	shalt  }
0x58: {  	_ =	shalt  }
0x59: {  	_ =	shalt  }
0x5a: {  	_ =	shalt  }
0x5b: {  	_ =	shalt  }
0x5c: {  	_ =	shalt  }
0x5d: {  	_ =	shalt  }
0x5e: {  	_ =	shalt  }
0x5f: {  	_ =	shalt  }
0x60: {  	_ =	shalt  }
0x61: {  	_ =	shalt  }
0x62: {  	_ =	shalt  }
0x63: {  	_ =	shalt  }
0x64: {  	_ =	shalt  }
0x65: {  	_ =	shalt  }
0x66: {  	_ =	shalt  }
0x67: {  	_ =	shalt  }
0x68: {  	_ =	shalt  }
0x69: {  	_ =	shalt  }
0x6a: {  	_ =	shalt  }
0x6b: {  	_ =	shalt  }
0x6c: {  	_ =	shalt  }
0x6d: {  	_ =	shalt  }
0x6e: {  	_ =	shalt  }
0x6f: {  	_ =	shalt  }
0x70: {  	_ =	shalt  }
0x71: {  	_ =	shalt  }
0x72: {  	_ =	shalt  }
0x73: {  	_ =	shalt  }
0x74: {  	_ =	shalt  }
0x75: {  	_ =	shalt  }
0x76: {  	_ =	shalt  }
0x77: {  	_ =	shalt  }
0x78: {  	_ =	shalt  }
0x79: {  	_ =	shalt  }
0x7a: {  	_ =	shalt  }
0x7b: {  	_ =	shalt  }
0x7c: {  	_ =	shalt  }
0x7d: {  	_ =	shalt  }
0x7e: {  	_ =	shalt  }
0x7f: {  	_ =	shalt  }
0x80: {  	_ =	shalt  }
0x81: {  	_ =	shalt  }
0x82: {  	_ =	shalt  }
0x83: {  	_ =	shalt  }
0x84: {  	_ =	shalt  }
0x85: {  	_ =	shalt  }
0x86: {  	_ =	shalt  }
0x87: {  	_ =	shalt  }
.Lfunc_end0:
.L_simem_size_0:
called_computation_lowered:
.L_overlay_start_0:
0x88: {  	s2 =	sld [smem:$0x3FD9]  }
0x89: {  	s3 =	sld [smem:$0x3FFE];
	_ =	sdelay $0x1  }
0x8a: {  	s1 =	srdreg.scid  }
0x8b: {  	s0 =	sand.u32 $0x1, s1  }
0x8c: {  	s17 =	sshll.u32 s0, $0xA;
	s2 =	sadd.s32 s3, s2  }
0x8d: {  	s2 =	sadd.s32 s2, s17  }
0x8e: {  	[smem:$0x3FC2] =	sst s2  }
0x8f: {  	_ = 	snop  }
0x90: {  	s2 =	sld [smem:$0x3FD0];
	(tm) =	ssettm $0x1  }
0x91: {  	s18 =	sld [smem:$0x3FFB];
	_ =	sdelay $0x3  }
0x92: {  	_ =	strace s18  }
0x93: {  	s3 =	sld [smem:$0x3FFC];
	_ =	sdelay $0x3  }
0x94: {  	_ =	strace s3  }
0x95: {  	s3 =	sld [smem:$0x3FFD];
	_ =	sdelay $0x3  }
0x96: {  	_ =	strace s3  }
0x97: {  	_ =	strace $0x8FFFFFFF  }
0x98: {  	s19 =	sld [smem:$0x3FDB];
	_ =	sdelay $0x1  }
0x99: {  	s4 =	simm.s32 $_scs_section_size  }
0x9a: {  	s5 =	simm.s32 $_size__tile_overlayer_lowered;
	s6 =	simm.s32 $_tile_overlayer_lowered  }
0x9b: {  	s22 =	simm.s32 $0x1BFF;
	s21 =	sshll.u32 s6, $0x1;
	s3 =	sadd.s32 s4, s19  }
0x9c: {  	s7 =	simm.s32 $0x0;
	s20 =	sshll.u32 s5, $0x1;
	s5 =	sadd.s32 s21, s3  }
0x9d: {  	[timem:s7], [sflag:s22] =	dma.local [hbm:s5], s20  }
0x9e: {  	_ =	swait.ge [sflag:s22], s20  }
0x9f: {  	s4 =	ssub.s32 $0x0, s20;
	[sflag:s22] =	ssyncset.done $0x0  }
0xa0: {  	[sflag:s22] =	ssyncadd.s32 s4;
	_ =	sdelay $0x1  }
0xa1: {  	s23 =	simm.s32 $0x1B8B  }
0xa2: {  	_ =	swait.ge [sflag:s23], $0x1  }
0xa3: {  	[sflag:s23] =	ssyncset.done $0x0  }
0xa4: {  	s25 =	simm.s32 $0x1B8E;
	s24 =	sld [smem:$0x3FFE];
	[sflag:s23] =	ssyncadd.s32 $0xFFFFFFFF  }
0xa5: {  	s26 =	simm.s32 $execute0_lowered;
	[smem:$0x3FD2] =	sst s25  }
0xa6: {  	s5 =	sshll.u32 s26, $0x1;
	_ =	strace $0x80000046;
	[dreg:$0x1] =	wrdreg $0xFFFFFFFF  }
0xa7: {  	s28 =	simm.s32 $_size_execute0_lowered;
	s3 =	sadd.s32 s3, s5;
	[dreg:$0x0] =	wrdreg $0x0  }
0xa8: {  	s5 =	sshll.u32 s28, $0x1;
	[dreg:$0x2] =	wrdreg s3  }
0xa9: {  	[dreg:$0x3] =	wrdreg s5  }
0xaa: {  	[dreg:$0x4] =	wrdreg $0xC0  }
0xab: {  	_ =	task [dreg:s7], $0x5FFFF  }
0xac: {  	[dreg:$0x1] =	wrdreg $0xFFFFFFFF  }
0xad: {  	[dreg:$0x0] =	wrdreg $0x60  }
0xae: {  	[dreg:$0x2] =	wrdreg s2  }
0xaf: {  	[dreg:$0x3] =	wrdreg s24  }
0xb0: {  	[dreg:$0x4] =	wrdreg $0xA500  }
0xb1: {  	[dreg:$0x5] =	wrdreg $0x9  }
0xb2: {  	_ =	task.clear_ibuf [dreg:s7], $0x6FFFF;
	_ =	strace $0x90000046  }
0xb3: {  	s29 =	simm.s32 $0x9;
	_ =	strace $0x80000048  }
0xb4: {  	_ =	swait.ge [sflag:s29], $0x1  }
0xb5: {  	[sflag:s29] =	ssyncadd.s32 $0xFFFFFFFF  }
0xb6: {  	_ =	strace $0x90000048  }
0xb7: {  	_ =	sfence  }
0xb8: {  	s30 =	sld [smem:$0x0];
	_ =	sdelay $0x2  }
0xb9: {  	s31 =	sshll.u32 s1, $0xD;
	s1 =	sshrl.u32 s1, $0x2  }
0xba: {  	s3 =	sand.u32 $0x4000, s31;
	s1 =	sadd.s32 s1, s30  }
0xbb: {  	s0 =	sor.u32 s3, s0;
	s1 =	sshll.u32 s1, $0x11  }
0xbc: {  	s0 =	sor.u32 s1, s0  }
0xbd: {  	s0 =	sadd.s32 $0x8F2B, s0  }
0xbe: {  	[sflag:s0] =	ssyncadd.remote.s32 $0x1  }
0xbf: {  	_ =	sfence.sel $0xFFFF  }
0xc0: {  	[dreg:$0x0] =	wrdreg $0xFFFFFFFF;
	(pc) =	sbr.abs _section_cstart, $3  }
0xc1: {  	[dreg:$0x1] =	wrdreg $0xFFFFFFFF  }
0xc2: {  	_ =	task.clear_ibuf [dreg:s7], $0x2FFFF;
	_ =	strace $0x9FFFFFFF  }
0xc3: {  	(tm) =	ssettm $0x7FFFFFFF  }
tec
execute0_lowered:
.L_overlay_start_1:
0x0: {  	(tag) =	ssettag $0x1  }
0x1: {  	s8 =	rddreg [dreg:$0x0]  }
0x2: {  	s6 =	rddreg [dreg:$0x1]  }
0x3: {  	s1 =	rddreg [dreg:$0x2]  }
0x4: {  	s2 =	srdreg.scid;
	s0 =	rddreg [dreg:$0x3];
	s3 =	simm.s32 $0x0  }
0x5: {  	s13 =	simm.s32 $0x7D0;
	s14 =	simm.s32 $0x1;
	s21 =	simm.s32 $0x50  }
0x6: {  	s23 =	simm.s32 $0x0;
	s7 =	sand.u32 $0x1, s2;
	s2 =	stileid.u32  }
0x7: {  	[smem:$0x7FF] =	sst s3;
	s4 =	sadd.s32 $0xC400, s6;
	s9 =	smul.u32 $0x14000, s7  }
0x8: {  	s5 =	sadd.s32 $0xC200, s6;
	s10 =	smul.u32 $0x1400, s2;
	_ =	strace $0x80000047  }
0x9: {  	s11 =	sshll.u32 s7, $0x4;
	s12 =	smul.u32 $0x5000, s2;
	s7 =	ssub.s32 $0x2, s7  }
0xa: {  	s15 =	sshll.u32 s2, $0x6;
	s30 =	sor.u32 s2, s11;
	s31 =	sshrl.u32 s7, $0x1  }
0xb: {  	s15 =	sor.u32 $0x1C01, s15;
	s9 =	sadd.s32 s10, s9;
	s12 =	sshrl.u32 s12, $0x2  }
0xc: {  	s7 =	ssub.s32 s7, s31;
	s22 =	sadd.s32 s10, s1;
	s9 =	sshrl.u32 s9, $0x3  }
0xd: {  	s16 =	sadd.s32 s12, s1;
	s7 =	smax.u32 s7, $0x1;
	s22 =	sshrl.u32 s22, $0x3  }
0xe: {  	s6 =	sadd.s32 s9, s6;
	s9 =	smul.u32 $0x2710, s30;
	s17 =	sadd.s32 $0x400, s16  }
0xf: {  	s18 =	sadd.s32 $0x800, s16;
	s19 =	sadd.s32 $0xC00, s16;
	s20 =	sadd.s32 $0x1000, s16  }
0x10: {  	s16 =	sshrl.u32 s16, $0x3;
	s6 =	sadd.s32 $0xC600, s6;
	s9 =	sshrl.u32 s9, $0x3  }
0x11: {  	s17 =	sshrl.u32 s17, $0x3;
	s18 =	sshrl.u32 s18, $0x3;
	s8 =	sadd.s32 s8, s9  }
0x12: {  	s19 =	sshrl.u32 s19, $0x3;
	s20 =	sshrl.u32 s20, $0x3;
	s9 =	sadd.s32 $0xFA, s8  }
0x13: {  	s10 =	sadd.s32 $0x1F4, s8;
	s11 =	sadd.s32 $0x2EE, s8;
	s12 =	sadd.s32 $0x3E8, s8  }
.LBB2_1:
0x14: {  	[tilespmem:s13], [sflag:$0x1] =	stream.linear.gather [hbm4b:s4+s3], $0x280, $0x38;
	[tilespmem:$0x1E50] =	vst v63  }
0x15: {  	_ =	swait.ge [sflag:s14], $0x280  }
0x16: {  	[sflag:s14] =	ssyncset.done $0x0  }
0x17: {  	[sflag:s14] =	ssyncadd.s32 $0xFFFFFD80  }
0x18: {  	[spmem:s16], [sflag:s15] =	dma.local [hbm:s5], $0x80  }
0x19: {  	_ =	swait.ge [sflag:s14], $0x80  }
0x1a: {  	[sflag:s14] =	ssyncset.done $0x0  }
0x1b: {  	[sflag:s14] =	ssyncadd.s32 $0xFFFFFF80  }
0x1c: {  	[spmem:s17], [sflag:s15] =	dma.local [hbm:s5], $0x80  }
0x1d: {  	_ =	swait.ge [sflag:s14], $0x80  }
0x1e: {  	[sflag:s14] =	ssyncset.done $0x0  }
0x1f: {  	[sflag:s14] =	ssyncadd.s32 $0xFFFFFF80  }
0x20: {  	[spmem:s18], [sflag:s15] =	dma.local [hbm:s5], $0x80  }
0x21: {  	_ =	swait.ge [sflag:s14], $0x80  }
0x22: {  	[sflag:s14] =	ssyncset.done $0x0  }
0x23: {  	[sflag:s14] =	ssyncadd.s32 $0xFFFFFF80  }
0x24: {  	[spmem:s19], [sflag:s15] =	dma.local [hbm:s5], $0x80  }
0x25: {  	_ =	swait.ge [sflag:s14], $0x80  }
0x26: {  	[sflag:s14] =	ssyncset.done $0x0  }
0x27: {  	[sflag:s14] =	ssyncadd.s32 $0xFFFFFF80  }
0x28: {  	[spmem:s20], [sflag:s15] =	dma.local [hbm:s5], $0x80  }
0x29: {  	_ =	swait.ge [sflag:s14], $0x80  }
0x2a: {  	[sflag:s14] =	ssyncset.done $0x0  }
0x2b: {  	[sflag:s14] =	ssyncadd.s32 $0xFFFFFF80  }
0x2c: {  	[bflag:$0x0] =	sbarrier.arrive $0xFFFF  }
0x2d: {  	[tilespmem:s3], [sflag:$0x1] =	stream.linear.gather [hbm4b:s8+s3], $0x7D0, $0x38;
	[tilespmem:$0x1E50] =	vst v63  }
0x2e: {  	_ =	swait.ge [sflag:s14], $0x7D0  }
0x2f: {  	[sflag:s14] =	ssyncset.done $0x0  }
0x30: {  	s24 =	simm.s32 $0x0;
	[sflag:s14] =	ssyncadd.s32 $0xFFFFF830  }
0x31: {  	[spmem:s1] =	stream.indirect.scatter.add.f32 [tilespmem:s13], [sflag:$0x1], $0x8, s24, s21, $0xb8;
	[tilespmem:$0x1E50] =	vst v63  }
0x32: {  	_ =	swait.ge [sflag:s14], $0x280  }
0x33: {  	s24 =	simm.s32 $0x140;
	[sflag:s14] =	ssyncset.done $0x0  }
.LBB2_2:
0x34: {  	s25 =	sshra.s32 s24, $0x2;
	[sflag:s14] =	ssyncadd.s32 $0xFFFFFD80;
	p0 =	sne.s32 s24, $0x1E00  }
0x35: {  	[spmem:s1] =	stream.indirect.scatter.add.f32 [tilespmem:s13], [sflag:$0x1], $0x8, s25, s21, $0xb8;
	[tilespmem:$0x1E50] =	vst v63  }
.Ltmp0:
0x36: {  	_ = 	snop;
	(pc) =	sbr.rel @p0 .LBB2_2-.Ltmp0, $4  }
0x37: {  	_ = 	snop  }
0x38: {  	s24 =	sadd.s32 $0x140, s24  }
0x39: {  	_ =	swait.ge [sflag:s14], $0x280  }
0x3a: {  	[sflag:s14] =	ssyncset.done $0x0  }
0x3b: {  	[sflag:s14] =	ssyncadd.s32 $0xFFFFFD80;
	s24 =	simm.s32 $0x0  }
0x3c: {  	[tilespmem:s24], [sflag:$0x1] =	stream.linear.gather [hbm4b:s9+s24], $0x7D0, $0x38;
	[tilespmem:$0x1E50] =	vst v63  }
0x3d: {  	_ =	swait.ge [sflag:s14], $0x7D0  }
0x3e: {  	[sflag:s14] =	ssyncset.done $0x0  }
0x3f: {  	s31 =	simm.s32 $0x0;
	[sflag:s14] =	ssyncadd.s32 $0xFFFFF830  }
0x40: {  	[spmem:s1] =	stream.indirect.scatter.add.f32 [tilespmem:s13], [sflag:$0x1], $0x8, s31, s21, $0xb8;
	[tilespmem:$0x1E50] =	vst v63  }
0x41: {  	_ =	swait.ge [sflag:s14], $0x280  }
0x42: {  	s24 =	simm.s32 $0x140;
	[sflag:s14] =	ssyncset.done $0x0  }
.LBB2_4:
0x43: {  	s25 =	sshra.s32 s24, $0x2;
	[sflag:s14] =	ssyncadd.s32 $0xFFFFFD80;
	p0 =	sne.s32 s24, $0x1E00  }
0x44: {  	[spmem:s1] =	stream.indirect.scatter.add.f32 [tilespmem:s13], [sflag:$0x1], $0x8, s25, s21, $0xb8;
	[tilespmem:$0x1E50] =	vst v63  }
.Ltmp1:
0x45: {  	_ = 	snop;
	(pc) =	sbr.rel @p0 .LBB2_4-.Ltmp1, $4  }
0x46: {  	_ = 	snop  }
0x47: {  	s24 =	sadd.s32 $0x140, s24  }
0x48: {  	_ =	swait.ge [sflag:s14], $0x280  }
0x49: {  	[sflag:s14] =	ssyncset.done $0x0  }
0x4a: {  	[sflag:s14] =	ssyncadd.s32 $0xFFFFFD80;
	s24 =	simm.s32 $0x0  }
0x4b: {  	[tilespmem:s24], [sflag:$0x1] =	stream.linear.gather [hbm4b:s10+s24], $0x7D0, $0x38;
	[tilespmem:$0x1E50] =	vst v63  }
0x4c: {  	_ =	swait.ge [sflag:s14], $0x7D0  }
0x4d: {  	[sflag:s14] =	ssyncset.done $0x0  }
0x4e: {  	s31 =	simm.s32 $0x0;
	[sflag:s14] =	ssyncadd.s32 $0xFFFFF830  }
0x4f: {  	[spmem:s1] =	stream.indirect.scatter.add.f32 [tilespmem:s13], [sflag:$0x1], $0x8, s31, s21, $0xb8;
	[tilespmem:$0x1E50] =	vst v63  }
0x50: {  	_ =	swait.ge [sflag:s14], $0x280  }
0x51: {  	s24 =	simm.s32 $0x140;
	[sflag:s14] =	ssyncset.done $0x0  }
.LBB2_6:
0x52: {  	s25 =	sshra.s32 s24, $0x2;
	[sflag:s14] =	ssyncadd.s32 $0xFFFFFD80;
	p0 =	sne.s32 s24, $0x1E00  }
0x53: {  	[spmem:s1] =	stream.indirect.scatter.add.f32 [tilespmem:s13], [sflag:$0x1], $0x8, s25, s21, $0xb8;
	[tilespmem:$0x1E50] =	vst v63  }
.Ltmp2:
0x54: {  	_ = 	snop;
	(pc) =	sbr.rel @p0 .LBB2_6-.Ltmp2, $4  }
0x55: {  	_ = 	snop  }
0x56: {  	s24 =	sadd.s32 $0x140, s24  }
0x57: {  	_ =	swait.ge [sflag:s14], $0x280  }
0x58: {  	[sflag:s14] =	ssyncset.done $0x0  }
0x59: {  	[sflag:s14] =	ssyncadd.s32 $0xFFFFFD80;
	s24 =	simm.s32 $0x0  }
0x5a: {  	[tilespmem:s24], [sflag:$0x1] =	stream.linear.gather [hbm4b:s11+s24], $0x7D0, $0x38;
	[tilespmem:$0x1E50] =	vst v63  }
0x5b: {  	_ =	swait.ge [sflag:s14], $0x7D0  }
0x5c: {  	[sflag:s14] =	ssyncset.done $0x0  }
0x5d: {  	s31 =	simm.s32 $0x0;
	[sflag:s14] =	ssyncadd.s32 $0xFFFFF830  }
0x5e: {  	[spmem:s1] =	stream.indirect.scatter.add.f32 [tilespmem:s13], [sflag:$0x1], $0x8, s31, s21, $0xb8;
	[tilespmem:$0x1E50] =	vst v63  }
0x5f: {  	_ =	swait.ge [sflag:s14], $0x280  }
0x60: {  	s24 =	simm.s32 $0x140;
	[sflag:s14] =	ssyncset.done $0x0  }
.LBB2_8:
0x61: {  	s25 =	sshra.s32 s24, $0x2;
	[sflag:s14] =	ssyncadd.s32 $0xFFFFFD80;
	p0 =	sne.s32 s24, $0x1E00  }
0x62: {  	[spmem:s1] =	stream.indirect.scatter.add.f32 [tilespmem:s13], [sflag:$0x1], $0x8, s25, s21, $0xb8;
	[tilespmem:$0x1E50] =	vst v63  }
.Ltmp3:
0x63: {  	_ = 	snop;
	(pc) =	sbr.rel @p0 .LBB2_8-.Ltmp3, $4  }
0x64: {  	_ = 	snop  }
0x65: {  	s24 =	sadd.s32 $0x140, s24  }
0x66: {  	_ =	swait.ge [sflag:s14], $0x280  }
0x67: {  	[sflag:s14] =	ssyncset.done $0x0  }
0x68: {  	[sflag:s14] =	ssyncadd.s32 $0xFFFFFD80;
	s24 =	simm.s32 $0x0  }
0x69: {  	[tilespmem:s24], [sflag:$0x1] =	stream.linear.gather [hbm4b:s12+s24], $0x7D0, $0x38;
	[tilespmem:$0x1E50] =	vst v63  }
0x6a: {  	_ =	swait.ge [sflag:s14], $0x7D0  }
0x6b: {  	[sflag:s14] =	ssyncset.done $0x0  }
0x6c: {  	s31 =	simm.s32 $0x0;
	[sflag:s14] =	ssyncadd.s32 $0xFFFFF830  }
0x6d: {  	[spmem:s1] =	stream.indirect.scatter.add.f32 [tilespmem:s13], [sflag:$0x1], $0x8, s31, s21, $0xb8;
	[tilespmem:$0x1E50] =	vst v63  }
0x6e: {  	_ =	swait.ge [sflag:s14], $0x280  }
0x6f: {  	s24 =	simm.s32 $0x140;
	[sflag:s14] =	ssyncset.done $0x0  }
.LBB2_10:
0x70: {  	s25 =	sshra.s32 s24, $0x2;
	[sflag:s14] =	ssyncadd.s32 $0xFFFFFD80;
	p0 =	sne.s32 s24, $0x1E00  }
0x71: {  	[spmem:s1] =	stream.indirect.scatter.add.f32 [tilespmem:s13], [sflag:$0x1], $0x8, s25, s21, $0xb8;
	[tilespmem:$0x1E50] =	vst v63  }
.Ltmp4:
0x72: {  	_ = 	snop;
	(pc) =	sbr.rel @p0 .LBB2_10-.Ltmp4, $4  }
0x73: {  	_ = 	snop  }
0x74: {  	s24 =	sadd.s32 $0x140, s24  }
0x75: {  	_ =	swait.ge [sflag:s14], $0x280  }
0x76: {  	[sflag:s14] =	ssyncset.done $0x0  }
0x77: {  	s23 =	sadd.s32 $0x1, s23  }
0x78: {  	[sflag:s14] =	ssyncadd.s32 $0xFFFFFD80;
	p0 =	sne.s32 s23, s7  }
.Ltmp5:
0x79: {  	[bflag:$0x0] =	sbarrier.arrive $0xFFFF;
	(pc) =	sbr.rel @p0 .LBB2_1-.Ltmp5, $4  }
0x7a: {  	[hbm:s6], [sflag:s15] =	dma.local [spmem:s22], $0x280  }
0x7b: {  	_ =	swait.ge [sflag:s14], $0x280  }
0x7c: {  	[sflag:s14] =	ssyncset.done $0x0  }
0x7d: {  	[sflag:s14] =	ssyncadd.s32 $0xFFFFFD80  }
0x7e: {  	_ =	sfence.sel $0x180000  }
0x7f: {  	[bflag:$0x0] =	sbarrier.arrive $0xFFFF  }
0x80: {  	p0 =	sne.s32 s2, $0x0;
	_ =	strace $0x90000047  }
0x81: {  	s0 =	sadd.s32 @!p0 $0x100000, s0;
	[bflag:$0x2] =	sbarrier.arrive $0xFFFF  }
0x82: {  	[sflag:s0] =	ssyncadd.tile.s32 @!p0 $0x1;
	_ =	shalt  }
.Lfunc_end2:
_tile_overlayer_lowered:
.L_overlay_start_2:
0x83: {  	(tag) =	ssettag $0x2  }
0x84: {  	s0 =	rddreg [dreg:$0x0];
	s2 =	stileid.u32  }
0x85: {  	s1 =	rddreg [dreg:$0x1];
	p0 =	sne.s32 s2, $0x0  }
0x86: {  	s3 =	rddreg [dreg:$0x2];
	[bflag:$0x3] =	sbarrier.arrive $0xFFFF;
	s2 =	simm.s32 @!p0 $0x1C01  }
0x87: {  	[timem:s3], [sflag:s2] =	dma.local @!p0 [hbm:s0], s1  }
0x88: {  	s0 =	simm.s32 @!p0 $0x1  }
0x89: {  	_ =	swait.ge @!p0 [sflag:s0], s1  }
0x8a: {  	s1 =	ssub.s32 @!p0 $0x0, s1;
	[sflag:s0] =	ssyncset.done @!p0 $0x0  }
0x8b: {  	[sflag:s0] =	ssyncadd.s32 @!p0 s1  }
0x8c: {  	[bflag:$0x3] =	sbarrier.arrive $0xFFFF  }
0x8d: {  	_ =	shalt  }

</sc_bundles>
